<compile_context>
chip_gen: v7x
topology: tpu7x:2x2x1
jax: 0.10.2.dev20260603
libtpu: 0.0.44.dev20260713+nightly
codegen_flags: <defaults>
</compile_context>

<pallas_src>
import functools

import jax
import jax.numpy as jnp
from jax import lax
from jax.experimental import pallas as pl
from jax.experimental.pallas import tpu as pltpu
from jax.experimental.pallas import tpu_sc as plsc
from jax._src.pallas import mpmd as _mpmd

_JITTER_STD = 0.01
_MASK_RATIO = 0.15

_NC, _NS = 2, 16
_NW = _NC * _NS
_CHUNK = 128
_UNROLL = 8


def _tc_jitter(x2):
    B, W = x2.shape
    BB = 8
    grid = (B // BB,)

    def body(x_ref, o_ref):
        pltpu.prng_seed(pl.program_id(0))
        bits = pltpu.prng_random_bits((BB, W))
        u = lax.bitcast_convert_type(
            jnp.bitwise_or(
                jnp.right_shift(bits, jnp.uint32(9)), jnp.uint32(0x3F800000)
            ),
            jnp.float32,
        ) - 1.0
        o_ref[...] = x_ref[...] + u * _JITTER_STD

    return pl.pallas_call(
        body,
        out_shape=jax.ShapeDtypeStruct((B, W), jnp.float32),
        grid=grid,
        in_specs=[pl.BlockSpec((BB, W), lambda i: (i, 0))],
        out_specs=pl.BlockSpec((BB, W), lambda i: (i, 0)),
    )(x2)


def _sc_zero_rows(y_rows, gidx, zrows):
    R, M = y_rows.shape
    cpw = gidx.shape[1]
    mesh = plsc.VectorSubcoreMesh(core_axis_name="c", subcore_axis_name="s")

    def body(y_hbm, gidx_hbm, zrows_hbm, out_hbm, idx_v, z_v, sem):
        del y_hbm
        wid = lax.axis_index("s") * _NC + lax.axis_index("c")
        pltpu.sync_copy(gidx_hbm.at[wid], idx_v)
        pltpu.sync_copy(zrows_hbm, z_v)

        def step(j, carry):
            copies = [
                pltpu.async_copy(
                    z_v, out_hbm.at[idx_v.at[j * _UNROLL + b]], sem
                )
                for b in range(_UNROLL)
            ]
            for c in copies:
                c.wait()
            return carry

        lax.fori_loop(0, cpw // _UNROLL, step, 0)

    run = _mpmd._mpmd_map(
        [(mesh, body)],
        out_types=jax.ShapeDtypeStruct((R, M), jnp.float32),
        input_output_aliases={0: 0},
        compiler_params=pltpu.CompilerParams(use_tc_tiling_on_sc=False),
        scratch_types=[
            pltpu.VMEM((cpw, _CHUNK), jnp.int32),
            pltpu.VMEM((_CHUNK, M), jnp.float32),
            pltpu.SemaphoreType.DMA,
        ],
    )
    return run(y_rows, gidx, zrows)


def kernel(x):
    B, L, M = x.shape
    key = jax.random.key(42)
    _, k2 = jax.random.split(key)
    mask_L = max(1, int(L * _MASK_RATIO))
    idx = jax.random.randint(k2, (B, mask_L), 0, L)
    rows_per_w = B // _NW
    pad_L = mask_L
    while (rows_per_w * pad_L) % _CHUNK or ((rows_per_w * pad_L) // _CHUNK) % _UNROLL:
        pad_L += 1
    idxp = jnp.concatenate([idx, idx[:, : pad_L - mask_L]], axis=1)
    gidx = jnp.arange(B, dtype=jnp.int32)[:, None] * L + idxp.astype(jnp.int32)
    gidx = gidx.reshape(_NW, (rows_per_w * pad_L) // _CHUNK, _CHUNK)
    zrows = jnp.zeros((_CHUNK, M), jnp.float32)

    y = _tc_jitter(x.reshape(B, L * M))
    out = _sc_zero_rows(y.reshape(B * L, M), gidx, zrows)
    return out.reshape(B, L, M)

# --- scband reference (transcript-rebuilt; emitter-appended) ---
"""Pipeline reference for scband-time-data-augment-19473381720354 (READ-ONLY COPY).

The authoritative reference and input builder live on the scoring server;
editing this copy changes nothing except your own understanding.
"""

import jax, jax.numpy as jnp
import numpy as np

JITTER_STD = 0.01
MASK_RATIO = 0.15


def setup_inputs(seed: int = 0) -> dict:
    key = jax.random.key(seed)
    x = jax.random.normal(key, (1024, 2048, 32), dtype=jnp.float32)
    return {"x": x}


def reference(x):
    B, L, M = x.shape
    k = jax.random.key(42)
    k1, k2 = jax.random.split(k)
    # jitter: torch.rand_like -> uniform [0,1) scaled by jitter_std
    noise = jax.random.uniform(k1, x.shape, dtype=x.dtype) * JITTER_STD
    x = x + noise
    # masking: zero out mask_L random timesteps per batch row (scatter-overwrite)
    mask_L = max(1, int(L * MASK_RATIO))
    idx = jax.random.randint(k2, (B, mask_L), 0, L)
    batch_idx = jnp.arange(B)[:, None]
    x = x.at[batch_idx, idx, :].set(0.0)
    return x

if __name__ == "__main__":
    import jax
    _d = setup_inputs()
    print(jax.jit(kernel)(*tuple(_d.values())))

</pallas_src>

<mosaic_0001>
#map = affine_map<(d0, d1) -> (0, 0)>
#map1 = affine_map<(d0, d1) -> (0, 0, 0)>
module attributes {stable_mosaic.version = 14 : i64} {
  func.func @body(%arg0: i32, %arg1: i32, %arg2: memref<2097152x32xf32, #tpu.memory_space<hbm>>, %arg3: memref<32x80x128xi32, #tpu.memory_space<hbm>>, %arg4: memref<128x32xf32, #tpu.memory_space<hbm>>, %arg5: memref<2097152x32xf32, #tpu.memory_space<hbm>>, %arg6: memref<80x128xi32, #tpu.memory_space<vmem>>, %arg7: memref<128x32xf32, #tpu.memory_space<vmem>>, %arg8: memref<!tpu.dma_semaphore, #tpu.memory_space<semaphore_mem>>) attributes {dimension_semantics = [#tpu.dimension_semantics<core_parallel>, #tpu.dimension_semantics<subcore_parallel>], iteration_bounds = array<i64: 2, 16>, scalar_prefetch = 0 : i64, scratch_operands = 3 : i64, tpu.core_type = #tpu.core_type<sc_vector_subcore>, window_params = [{transform_indices = #map}, {transform_indices = #map1}, {transform_indices = #map}, {transform_indices = #map}]} {
    %mul3A = arith.constant 2 : i32
    %mul3A_0 = arith.muli %arg1, %mul3A : i32
    %add3A = arith.addi %mul3A_0, %arg0 : i32
    "tpu.region"() ({
      %run_scoped3A = tpu.sem_alloc : memref<!tpu.dma_semaphore, #tpu.memory_space<semaphore_mem>>
      %dma_start3A = arith.constant 0 : i32
      %dma_start3A_6 = arith.constant 0 : i32
      %dma_start3A_7 = tpu.memref_slice %arg3[%add3A, %dma_start3A, %dma_start3A_6] : memref<32x80x128xi32, #tpu.memory_space<hbm>> -> memref<1x80x128xi32, #tpu.memory_space<hbm>>
      %dma_start3A_8 = tpu.memref_squeeze %dma_start3A_7 : memref<1x80x128xi32, #tpu.memory_space<hbm>> -> memref<80x128xi32, #tpu.memory_space<hbm>>
      %dma_start3A_9 = arith.constant 0 : i32
      %dma_start3A_10 = arith.constant 0 : i32
      %dma_start3A_11 = tpu.memref_slice %arg3[%add3A, %dma_start3A_9, %dma_start3A_10] : memref<32x80x128xi32, #tpu.memory_space<hbm>> -> memref<1x80x128xi32, #tpu.memory_space<hbm>>
      %dma_start3A_12 = tpu.memref_squeeze %dma_start3A_11 : memref<1x80x128xi32, #tpu.memory_space<hbm>> -> memref<80x128xi32, #tpu.memory_space<hbm>>
      tpu.enqueue_dma source(%dma_start3A_12 : memref<80x128xi32, #tpu.memory_space<hbm>>) target(%arg6 : memref<80x128xi32, #tpu.memory_space<vmem>>) target_semaphore(%run_scoped3A : memref<!tpu.dma_semaphore, #tpu.memory_space<semaphore_mem>>)
      %dma_wait3A = arith.constant 0 : i32
      %dma_wait3A_13 = arith.constant 0 : i32
      %dma_wait3A_14 = tpu.memref_slice %arg3[%add3A, %dma_wait3A, %dma_wait3A_13] : memref<32x80x128xi32, #tpu.memory_space<hbm>> -> memref<1x80x128xi32, #tpu.memory_space<hbm>>
      %dma_wait3A_15 = tpu.memref_squeeze %dma_wait3A_14 : memref<1x80x128xi32, #tpu.memory_space<hbm>> -> memref<80x128xi32, #tpu.memory_space<hbm>>
      %dma_wait3A_16 = arith.constant 0 : i32
      %dma_wait3A_17 = arith.constant 0 : i32
      %dma_wait3A_18 = tpu.memref_slice %arg3[%add3A, %dma_wait3A_16, %dma_wait3A_17] : memref<32x80x128xi32, #tpu.memory_space<hbm>> -> memref<1x80x128xi32, #tpu.memory_space<hbm>>
      %dma_wait3A_19 = tpu.memref_squeeze %dma_wait3A_18 : memref<1x80x128xi32, #tpu.memory_space<hbm>> -> memref<80x128xi32, #tpu.memory_space<hbm>>
      tpu.wait_dma2 semaphore(%run_scoped3A : memref<!tpu.dma_semaphore, #tpu.memory_space<semaphore_mem>>) src(%dma_wait3A_19 : memref<80x128xi32, #tpu.memory_space<hbm>>) dst(%arg6 : memref<80x128xi32, #tpu.memory_space<vmem>>)
      tpu.yield
    }) : () -> ()
    "tpu.region"() ({
      %run_scoped3A = tpu.sem_alloc : memref<!tpu.dma_semaphore, #tpu.memory_space<semaphore_mem>>
      tpu.enqueue_dma source(%arg4 : memref<128x32xf32, #tpu.memory_space<hbm>>) target(%arg7 : memref<128x32xf32, #tpu.memory_space<vmem>>) target_semaphore(%run_scoped3A : memref<!tpu.dma_semaphore, #tpu.memory_space<semaphore_mem>>)
      tpu.wait_dma2 semaphore(%run_scoped3A : memref<!tpu.dma_semaphore, #tpu.memory_space<semaphore_mem>>) src(%arg4 : memref<128x32xf32, #tpu.memory_space<hbm>>) dst(%arg7 : memref<128x32xf32, #tpu.memory_space<vmem>>)
      tpu.yield
    }) : () -> ()
    %scan3A = arith.constant 0 : i32
    %scan3A_1 = arith.constant 0 : i32
    %scan3A_2 = arith.constant 10 : i32
    %scan3A_3 = arith.addi %scan3A_1, %scan3A_2 : i32
    %scan3A_4 = arith.constant 1 : i32
    scf.for %scan3A_6 = %scan3A_1 to %scan3A_3 step %scan3A_4  : i32 {
      %mul3A_7 = arith.constant 8 : i32
      %mul3A_8 = arith.muli %scan3A_6, %mul3A_7 : i32
      %add3A_9 = arith.constant 0 : i32
      %add3A_10 = arith.addi %mul3A_8, %add3A_9 : i32
      %dma_start3A = arith.constant 0 : i32
      %dma_start3A_11 = tpu.memref_slice %arg6[%add3A_10, %dma_start3A] : memref<80x128xi32, #tpu.memory_space<vmem>> -> memref<1x128xi32, #tpu.memory_space<vmem>>
      %dma_start3A_12 = tpu.memref_squeeze %dma_start3A_11 : memref<1x128xi32, #tpu.memory_space<vmem>> -> memref<128xi32, #tpu.memory_space<vmem>>
      %dma_start3A_13 = arith.constant 0 : i32
      %dma_start3A_14 = arith.constant 0 : i32
      %dma_start3A_15 = tpu.memref_slice %arg5[%dma_start3A_13, %dma_start3A_14] : memref<2097152x32xf32, #tpu.memory_space<hbm>> -> memref<2097152x32xf32, #tpu.memory_space<hbm>>
      tpu.enqueue_indirect_dma source(%arg7 : memref<128x32xf32, #tpu.memory_space<vmem>>) target(%dma_start3A_15 : memref<2097152x32xf32, #tpu.memory_space<hbm>>) offsets(%dma_start3A_12 : memref<128xi32, #tpu.memory_space<vmem>>) semaphore(%arg8 : memref<!tpu.dma_semaphore, #tpu.memory_space<semaphore_mem>>)
      %mul3A_16 = arith.constant 8 : i32
      %mul3A_17 = arith.muli %scan3A_6, %mul3A_16 : i32
      %add3A_18 = arith.constant 1 : i32
      %add3A_19 = arith.addi %mul3A_17, %add3A_18 : i32
      %dma_start3A_20 = arith.constant 0 : i32
      %dma_start3A_21 = tpu.memref_slice %arg6[%add3A_19, %dma_start3A_20] : memref<80x128xi32, #tpu.memory_space<vmem>> -> memref<1x128xi32, #tpu.memory_space<vmem>>
      %dma_start3A_22 = tpu.memref_squeeze %dma_start3A_21 : memref<1x128xi32, #tpu.memory_space<vmem>> -> memref<128xi32, #tpu.memory_space<vmem>>
      %dma_start3A_23 = arith.constant 0 : i32
      %dma_start3A_24 = arith.constant 0 : i32
      %dma_start3A_25 = tpu.memref_slice %arg5[%dma_start3A_23, %dma_start3A_24] : memref<2097152x32xf32, #tpu.memory_space<hbm>> -> memref<2097152x32xf32, #tpu.memory_space<hbm>>
      tpu.enqueue_indirect_dma source(%arg7 : memref<128x32xf32, #tpu.memory_space<vmem>>) target(%dma_start3A_25 : memref<2097152x32xf32, #tpu.memory_space<hbm>>) offsets(%dma_start3A_22 : memref<128xi32, #tpu.memory_space<vmem>>) semaphore(%arg8 : memref<!tpu.dma_semaphore, #tpu.memory_space<semaphore_mem>>)
      %mul3A_26 = arith.constant 8 : i32
      %mul3A_27 = arith.muli %scan3A_6, %mul3A_26 : i32
      %add3A_28 = arith.constant 2 : i32
      %add3A_29 = arith.addi %mul3A_27, %add3A_28 : i32
      %dma_start3A_30 = arith.constant 0 : i32
      %dma_start3A_31 = tpu.memref_slice %arg6[%add3A_29, %dma_start3A_30] : memref<80x128xi32, #tpu.memory_space<vmem>> -> memref<1x128xi32, #tpu.memory_space<vmem>>
      %dma_start3A_32 = tpu.memref_squeeze %dma_start3A_31 : memref<1x128xi32, #tpu.memory_space<vmem>> -> memref<128xi32, #tpu.memory_space<vmem>>
      %dma_start3A_33 = arith.constant 0 : i32
      %dma_start3A_34 = arith.constant 0 : i32
      %dma_start3A_35 = tpu.memref_slice %arg5[%dma_start3A_33, %dma_start3A_34] : memref<2097152x32xf32, #tpu.memory_space<hbm>> -> memref<2097152x32xf32, #tpu.memory_space<hbm>>
      tpu.enqueue_indirect_dma source(%arg7 : memref<128x32xf32, #tpu.memory_space<vmem>>) target(%dma_start3A_35 : memref<2097152x32xf32, #tpu.memory_space<hbm>>) offsets(%dma_start3A_32 : memref<128xi32, #tpu.memory_space<vmem>>) semaphore(%arg8 : memref<!tpu.dma_semaphore, #tpu.memory_space<semaphore_mem>>)
      %mul3A_36 = arith.constant 8 : i32
      %mul3A_37 = arith.muli %scan3A_6, %mul3A_36 : i32
      %add3A_38 = arith.constant 3 : i32
      %add3A_39 = arith.addi %mul3A_37, %add3A_38 : i32
      %dma_start3A_40 = arith.constant 0 : i32
      %dma_start3A_41 = tpu.memref_slice %arg6[%add3A_39, %dma_start3A_40] : memref<80x128xi32, #tpu.memory_space<vmem>> -> memref<1x128xi32, #tpu.memory_space<vmem>>
      %dma_start3A_42 = tpu.memref_squeeze %dma_start3A_41 : memref<1x128xi32, #tpu.memory_space<vmem>> -> memref<128xi32, #tpu.memory_space<vmem>>
      %dma_start3A_43 = arith.constant 0 : i32
      %dma_start3A_44 = arith.constant 0 : i32
      %dma_start3A_45 = tpu.memref_slice %arg5[%dma_start3A_43, %dma_start3A_44] : memref<2097152x32xf32, #tpu.memory_space<hbm>> -> memref<2097152x32xf32, #tpu.memory_space<hbm>>
      tpu.enqueue_indirect_dma source(%arg7 : memref<128x32xf32, #tpu.memory_space<vmem>>) target(%dma_start3A_45 : memref<2097152x32xf32, #tpu.memory_space<hbm>>) offsets(%dma_start3A_42 : memref<128xi32, #tpu.memory_space<vmem>>) semaphore(%arg8 : memref<!tpu.dma_semaphore, #tpu.memory_space<semaphore_mem>>)
      %mul3A_46 = arith.constant 8 : i32
      %mul3A_47 = arith.muli %scan3A_6, %mul3A_46 : i32
      %add3A_48 = arith.constant 4 : i32
      %add3A_49 = arith.addi %mul3A_47, %add3A_48 : i32
      %dma_start3A_50 = arith.constant 0 : i32
      %dma_start3A_51 = tpu.memref_slice %arg6[%add3A_49, %dma_start3A_50] : memref<80x128xi32, #tpu.memory_space<vmem>> -> memref<1x128xi32, #tpu.memory_space<vmem>>
      %dma_start3A_52 = tpu.memref_squeeze %dma_start3A_51 : memref<1x128xi32, #tpu.memory_space<vmem>> -> memref<128xi32, #tpu.memory_space<vmem>>
      %dma_start3A_53 = arith.constant 0 : i32
      %dma_start3A_54 = arith.constant 0 : i32
      %dma_start3A_55 = tpu.memref_slice %arg5[%dma_start3A_53, %dma_start3A_54] : memref<2097152x32xf32, #tpu.memory_space<hbm>> -> memref<2097152x32xf32, #tpu.memory_space<hbm>>
      tpu.enqueue_indirect_dma source(%arg7 : memref<128x32xf32, #tpu.memory_space<vmem>>) target(%dma_start3A_55 : memref<2097152x32xf32, #tpu.memory_space<hbm>>) offsets(%dma_start3A_52 : memref<128xi32, #tpu.memory_space<vmem>>) semaphore(%arg8 : memref<!tpu.dma_semaphore, #tpu.memory_space<semaphore_mem>>)
      %mul3A_56 = arith.constant 8 : i32
      %mul3A_57 = arith.muli %scan3A_6, %mul3A_56 : i32
      %add3A_58 = arith.constant 5 : i32
      %add3A_59 = arith.addi %mul3A_57, %add3A_58 : i32
      %dma_start3A_60 = arith.constant 0 : i32
      %dma_start3A_61 = tpu.memref_slice %arg6[%add3A_59, %dma_start3A_60] : memref<80x128xi32, #tpu.memory_space<vmem>> -> memref<1x128xi32, #tpu.memory_space<vmem>>
      %dma_start3A_62 = tpu.memref_squeeze %dma_start3A_61 : memref<1x128xi32, #tpu.memory_space<vmem>> -> memref<128xi32, #tpu.memory_space<vmem>>
      %dma_start3A_63 = arith.constant 0 : i32
      %dma_start3A_64 = arith.constant 0 : i32
      %dma_start3A_65 = tpu.memref_slice %arg5[%dma_start3A_63, %dma_start3A_64] : memref<2097152x32xf32, #tpu.memory_space<hbm>> -> memref<2097152x32xf32, #tpu.memory_space<hbm>>
      tpu.enqueue_indirect_dma source(%arg7 : memref<128x32xf32, #tpu.memory_space<vmem>>) target(%dma_start3A_65 : memref<2097152x32xf32, #tpu.memory_space<hbm>>) offsets(%dma_start3A_62 : memref<128xi32, #tpu.memory_space<vmem>>) semaphore(%arg8 : memref<!tpu.dma_semaphore, #tpu.memory_space<semaphore_mem>>)
      %mul3A_66 = arith.constant 8 : i32
      %mul3A_67 = arith.muli %scan3A_6, %mul3A_66 : i32
      %add3A_68 = arith.constant 6 : i32
      %add3A_69 = arith.addi %mul3A_67, %add3A_68 : i32
      %dma_start3A_70 = arith.constant 0 : i32
      %dma_start3A_71 = tpu.memref_slice %arg6[%add3A_69, %dma_start3A_70] : memref<80x128xi32, #tpu.memory_space<vmem>> -> memref<1x128xi32, #tpu.memory_space<vmem>>
      %dma_start3A_72 = tpu.memref_squeeze %dma_start3A_71 : memref<1x128xi32, #tpu.memory_space<vmem>> -> memref<128xi32, #tpu.memory_space<vmem>>
      %dma_start3A_73 = arith.constant 0 : i32
      %dma_start3A_74 = arith.constant 0 : i32
      %dma_start3A_75 = tpu.memref_slice %arg5[%dma_start3A_73, %dma_start3A_74] : memref<2097152x32xf32, #tpu.memory_space<hbm>> -> memref<2097152x32xf32, #tpu.memory_space<hbm>>
      tpu.enqueue_indirect_dma source(%arg7 : memref<128x32xf32, #tpu.memory_space<vmem>>) target(%dma_start3A_75 : memref<2097152x32xf32, #tpu.memory_space<hbm>>) offsets(%dma_start3A_72 : memref<128xi32, #tpu.memory_space<vmem>>) semaphore(%arg8 : memref<!tpu.dma_semaphore, #tpu.memory_space<semaphore_mem>>)
      %mul3A_76 = arith.constant 8 : i32
      %mul3A_77 = arith.muli %scan3A_6, %mul3A_76 : i32
      %add3A_78 = arith.constant 7 : i32
      %add3A_79 = arith.addi %mul3A_77, %add3A_78 : i32
      %dma_start3A_80 = arith.constant 0 : i32
      %dma_start3A_81 = tpu.memref_slice %arg6[%add3A_79, %dma_start3A_80] : memref<80x128xi32, #tpu.memory_space<vmem>> -> memref<1x128xi32, #tpu.memory_space<vmem>>
      %dma_start3A_82 = tpu.memref_squeeze %dma_start3A_81 : memref<1x128xi32, #tpu.memory_space<vmem>> -> memref<128xi32, #tpu.memory_space<vmem>>
      %dma_start3A_83 = arith.constant 0 : i32
      %dma_start3A_84 = arith.constant 0 : i32
      %dma_start3A_85 = tpu.memref_slice %arg5[%dma_start3A_83, %dma_start3A_84] : memref<2097152x32xf32, #tpu.memory_space<hbm>> -> memref<2097152x32xf32, #tpu.memory_space<hbm>>
      tpu.enqueue_indirect_dma source(%arg7 : memref<128x32xf32, #tpu.memory_space<vmem>>) target(%dma_start3A_85 : memref<2097152x32xf32, #tpu.memory_space<hbm>>) offsets(%dma_start3A_82 : memref<128xi32, #tpu.memory_space<vmem>>) semaphore(%arg8 : memref<!tpu.dma_semaphore, #tpu.memory_space<semaphore_mem>>)
      %dma_wait3A = arith.constant 0 : i32
      %dma_wait3A_86 = tpu.memref_slice %arg6[%add3A_10, %dma_wait3A] : memref<80x128xi32, #tpu.memory_space<vmem>> -> memref<1x128xi32, #tpu.memory_space<vmem>>
      %dma_wait3A_87 = tpu.memref_squeeze %dma_wait3A_86 : memref<1x128xi32, #tpu.memory_space<vmem>> -> memref<128xi32, #tpu.memory_space<vmem>>
      %dma_wait3A_88 = arith.constant 0 : i32
      %dma_wait3A_89 = arith.constant 0 : i32
      %dma_wait3A_90 = tpu.memref_slice %arg5[%dma_wait3A_88, %dma_wait3A_89] : memref<2097152x32xf32, #tpu.memory_space<hbm>> -> memref<2097152x32xf32, #tpu.memory_space<hbm>>
      tpu.wait_indirect_dma semaphore(%arg8 : memref<!tpu.dma_semaphore, #tpu.memory_space<semaphore_mem>>) src(%arg7 : memref<128x32xf32, #tpu.memory_space<vmem>>) dst(%dma_wait3A_90 : memref<2097152x32xf32, #tpu.memory_space<hbm>>)
      %dma_wait3A_91 = arith.constant 0 : i32
      %dma_wait3A_92 = tpu.memref_slice %arg6[%add3A_19, %dma_wait3A_91] : memref<80x128xi32, #tpu.memory_space<vmem>> -> memref<1x128xi32, #tpu.memory_space<vmem>>
      %dma_wait3A_93 = tpu.memref_squeeze %dma_wait3A_92 : memref<1x128xi32, #tpu.memory_space<vmem>> -> memref<128xi32, #tpu.memory_space<vmem>>
      %dma_wait3A_94 = arith.constant 0 : i32
      %dma_wait3A_95 = arith.constant 0 : i32
      %dma_wait3A_96 = tpu.memref_slice %arg5[%dma_wait3A_94, %dma_wait3A_95] : memref<2097152x32xf32, #tpu.memory_space<hbm>> -> memref<2097152x32xf32, #tpu.memory_space<hbm>>
      tpu.wait_indirect_dma semaphore(%arg8 : memref<!tpu.dma_semaphore, #tpu.memory_space<semaphore_mem>>) src(%arg7 : memref<128x32xf32, #tpu.memory_space<vmem>>) dst(%dma_wait3A_96 : memref<2097152x32xf32, #tpu.memory_space<hbm>>)
      %dma_wait3A_97 = arith.constant 0 : i32
      %dma_wait3A_98 = tpu.memref_slice %arg6[%add3A_29, %dma_wait3A_97] : memref<80x128xi32, #tpu.memory_space<vmem>> -> memref<1x128xi32, #tpu.memory_space<vmem>>
      %dma_wait3A_99 = tpu.memref_squeeze %dma_wait3A_98 : memref<1x128xi32, #tpu.memory_space<vmem>> -> memref<128xi32, #tpu.memory_space<vmem>>
      %dma_wait3A_100 = arith.constant 0 : i32
      %dma_wait3A_101 = arith.constant 0 : i32
      %dma_wait3A_102 = tpu.memref_slice %arg5[%dma_wait3A_100, %dma_wait3A_101] : memref<2097152x32xf32, #tpu.memory_space<hbm>> -> memref<2097152x32xf32, #tpu.memory_space<hbm>>
      tpu.wait_indirect_dma semaphore(%arg8 : memref<!tpu.dma_semaphore, #tpu.memory_space<semaphore_mem>>) src(%arg7 : memref<128x32xf32, #tpu.memory_space<vmem>>) dst(%dma_wait3A_102 : memref<2097152x32xf32, #tpu.memory_space<hbm>>)
      %dma_wait3A_103 = arith.constant 0 : i32
      %dma_wait3A_104 = tpu.memref_slice %arg6[%add3A_39, %dma_wait3A_103] : memref<80x128xi32, #tpu.memory_space<vmem>> -> memref<1x128xi32, #tpu.memory_space<vmem>>
      %dma_wait3A_105 = tpu.memref_squeeze %dma_wait3A_104 : memref<1x128xi32, #tpu.memory_space<vmem>> -> memref<128xi32, #tpu.memory_space<vmem>>
      %dma_wait3A_106 = arith.constant 0 : i32
      %dma_wait3A_107 = arith.constant 0 : i32
      %dma_wait3A_108 = tpu.memref_slice %arg5[%dma_wait3A_106, %dma_wait3A_107] : memref<2097152x32xf32, #tpu.memory_space<hbm>> -> memref<2097152x32xf32, #tpu.memory_space<hbm>>
      tpu.wait_indirect_dma semaphore(%arg8 : memref<!tpu.dma_semaphore, #tpu.memory_space<semaphore_mem>>) src(%arg7 : memref<128x32xf32, #tpu.memory_space<vmem>>) dst(%dma_wait3A_108 : memref<2097152x32xf32, #tpu.memory_space<hbm>>)
      %dma_wait3A_109 = arith.constant 0 : i32
      %dma_wait3A_110 = tpu.memref_slice %arg6[%add3A_49, %dma_wait3A_109] : memref<80x128xi32, #tpu.memory_space<vmem>> -> memref<1x128xi32, #tpu.memory_space<vmem>>
      %dma_wait3A_111 = tpu.memref_squeeze %dma_wait3A_110 : memref<1x128xi32, #tpu.memory_space<vmem>> -> memref<128xi32, #tpu.memory_space<vmem>>
      %dma_wait3A_112 = arith.constant 0 : i32
      %dma_wait3A_113 = arith.constant 0 : i32
      %dma_wait3A_114 = tpu.memref_slice %arg5[%dma_wait3A_112, %dma_wait3A_113] : memref<2097152x32xf32, #tpu.memory_space<hbm>> -> memref<2097152x32xf32, #tpu.memory_space<hbm>>
      tpu.wait_indirect_dma semaphore(%arg8 : memref<!tpu.dma_semaphore, #tpu.memory_space<semaphore_mem>>) src(%arg7 : memref<128x32xf32, #tpu.memory_space<vmem>>) dst(%dma_wait3A_114 : memref<2097152x32xf32, #tpu.memory_space<hbm>>)
      %dma_wait3A_115 = arith.constant 0 : i32
      %dma_wait3A_116 = tpu.memref_slice %arg6[%add3A_59, %dma_wait3A_115] : memref<80x128xi32, #tpu.memory_space<vmem>> -> memref<1x128xi32, #tpu.memory_space<vmem>>
      %dma_wait3A_117 = tpu.memref_squeeze %dma_wait3A_116 : memref<1x128xi32, #tpu.memory_space<vmem>> -> memref<128xi32, #tpu.memory_space<vmem>>
      %dma_wait3A_118 = arith.constant 0 : i32
      %dma_wait3A_119 = arith.constant 0 : i32
      %dma_wait3A_120 = tpu.memref_slice %arg5[%dma_wait3A_118, %dma_wait3A_119] : memref<2097152x32xf32, #tpu.memory_space<hbm>> -> memref<2097152x32xf32, #tpu.memory_space<hbm>>
      tpu.wait_indirect_dma semaphore(%arg8 : memref<!tpu.dma_semaphore, #tpu.memory_space<semaphore_mem>>) src(%arg7 : memref<128x32xf32, #tpu.memory_space<vmem>>) dst(%dma_wait3A_120 : memref<2097152x32xf32, #tpu.memory_space<hbm>>)
      %dma_wait3A_121 = arith.constant 0 : i32
      %dma_wait3A_122 = tpu.memref_slice %arg6[%add3A_69, %dma_wait3A_121] : memref<80x128xi32, #tpu.memory_space<vmem>> -> memref<1x128xi32, #tpu.memory_space<vmem>>
      %dma_wait3A_123 = tpu.memref_squeeze %dma_wait3A_122 : memref<1x128xi32, #tpu.memory_space<vmem>> -> memref<128xi32, #tpu.memory_space<vmem>>
      %dma_wait3A_124 = arith.constant 0 : i32
      %dma_wait3A_125 = arith.constant 0 : i32
      %dma_wait3A_126 = tpu.memref_slice %arg5[%dma_wait3A_124, %dma_wait3A_125] : memref<2097152x32xf32, #tpu.memory_space<hbm>> -> memref<2097152x32xf32, #tpu.memory_space<hbm>>
      tpu.wait_indirect_dma semaphore(%arg8 : memref<!tpu.dma_semaphore, #tpu.memory_space<semaphore_mem>>) src(%arg7 : memref<128x32xf32, #tpu.memory_space<vmem>>) dst(%dma_wait3A_126 : memref<2097152x32xf32, #tpu.memory_space<hbm>>)
      %dma_wait3A_127 = arith.constant 0 : i32
      %dma_wait3A_128 = tpu.memref_slice %arg6[%add3A_79, %dma_wait3A_127] : memref<80x128xi32, #tpu.memory_space<vmem>> -> memref<1x128xi32, #tpu.memory_space<vmem>>
      %dma_wait3A_129 = tpu.memref_squeeze %dma_wait3A_128 : memref<1x128xi32, #tpu.memory_space<vmem>> -> memref<128xi32, #tpu.memory_space<vmem>>
      %dma_wait3A_130 = arith.constant 0 : i32
      %dma_wait3A_131 = arith.constant 0 : i32
      %dma_wait3A_132 = tpu.memref_slice %arg5[%dma_wait3A_130, %dma_wait3A_131] : memref<2097152x32xf32, #tpu.memory_space<hbm>> -> memref<2097152x32xf32, #tpu.memory_space<hbm>>
      tpu.wait_indirect_dma semaphore(%arg8 : memref<!tpu.dma_semaphore, #tpu.memory_space<semaphore_mem>>) src(%arg7 : memref<128x32xf32, #tpu.memory_space<vmem>>) dst(%dma_wait3A_132 : memref<2097152x32xf32, #tpu.memory_space<hbm>>)
    }
    %scan3A_5 = arith.constant 10 : i32
    return
  }
}

module attributes {stable_mosaic.version = 14 : i64} {
  func.func @body(%arg0: i32, %arg1: memref<8x65536xf32, #tpu.memory_space<vmem>>, %arg2: memref<8x65536xf32, #tpu.memory_space<vmem>>) attributes {dimension_semantics = [#tpu.dimension_semantics<arbitrary>], iteration_bounds = array<i64: 128>, scalar_prefetch = 0 : i64, scratch_operands = 0 : i64, tpu.core_type = #tpu.core_type<tc>, window_params = [{transform_indices = @transform_0, window_bounds = array<i64: 8, 65536>}, {transform_indices = @transform_1, window_bounds = array<i64: 8, 65536>}]} {
    "tpu.prng_set_seed_32"(%arg0) : (i32) -> ()
    %prng_random_bits3A = "tpu.prng_random_bits"() : () -> vector<8x65536xi32>
    %shift_right_arithmetic3A = arith.constant 9 : i32
    %shift_right_arithmetic3A_0 = vector.broadcast %shift_right_arithmetic3A : i32 to vector<8x65536xi32>
    %shift_right_arithmetic3A_1 = arith.shrsi %prng_random_bits3A, %shift_right_arithmetic3A_0 : vector<8x65536xi32>
    %or3A = arith.constant 1065353216 : i32
    %or3A_2 = vector.broadcast %or3A : i32 to vector<8x65536xi32>
    %or3A_3 = arith.ori %shift_right_arithmetic3A_1, %or3A_2 : vector<8x65536xi32>
    %bitcast_convert_type3A = tpu.bitcast %or3A_3 : vector<8x65536xi32> -> vector<8x65536xf32>
    %sub3A = arith.constant 1.000000e+00 : f32
    %sub3A_4 = vector.broadcast %sub3A : f32 to vector<8x65536xf32>
    %sub3A_5 = arith.subf %bitcast_convert_type3A, %sub3A_4 : vector<8x65536xf32>
    %get3A = arith.constant 0 : index
    %get3A_6 = arith.constant 0 : index
    %get3A_7 = vector.load %arg1[%get3A, %get3A_6] : memref<8x65536xf32, #tpu.memory_space<vmem>>, vector<8x65536xf32>
    %mul3A = arith.constant 0.00999999977 : f32
    %mul3A_8 = vector.broadcast %mul3A : f32 to vector<8x65536xf32>
    %mul3A_9 = arith.mulf %sub3A_5, %mul3A_8 : vector<8x65536xf32>
    %add3A = arith.addf %get3A_7, %mul3A_9 : vector<8x65536xf32>
    %swap3A = arith.constant 0 : index
    %swap3A_10 = arith.constant 0 : index
    %swap3A_11 = vector.load %arg2[%swap3A, %swap3A_10] : memref<8x65536xf32, #tpu.memory_space<vmem>>, vector<8x65536xf32>
    tpu.vector_store %arg2[%swap3A, %swap3A_10], %add3A {strides = array<i32>} : memref<8x65536xf32, #tpu.memory_space<vmem>>, vector<8x65536xf32>,
    return
  }
  func.func @transform_0(%arg0: i32) -> (i32, i32) {
    %c0_i32 = arith.constant 0 : i32
    %c0_i32_0 = arith.constant 0 : i32
    return %arg0, %c0_i32 : i32, i32
  }
  func.func @transform_1(%arg0: i32) -> (i32, i32) {
    %c0_i32 = arith.constant 0 : i32
    %c0_i32_0 = arith.constant 0 : i32
    return %arg0, %c0_i32 : i32, i32
  }
}

</mosaic_0001>

<sc_bundles>
// kernel: kernel.4.cloned.1.call-start
scs
__scs_entry_jumppad:
0x0: {  	(pc) =	sbr.rel $0x88, $3  }
0x1: {  	(tag) =	ssettag $0x0;
	lr =	simm.s32 $0x1  }
0x2: {  	[smem:$0x3FA0] =	sst lr;
	_ =	strace $0xD0000000  }
0x3: {  	_ = 	snop  }
0x4: {  	_ = 	snop  }
0x5: {  	_ = 	snop  }
0x6: {  	_ = 	snop  }
0x7: {  	_ = 	snop  }
__scs_overlays_trampoline_lowered:
0x8: {  	[smem:$0x3FAF] =	sst s0  }
0x9: {  	[smem:$0x3FB0] =	sst s1  }
0xa: {  	[smem:$0x3FB1] =	sst s2  }
0xb: {  	[smem:$0x3FB2] =	sst s3  }
0xc: {  	[smem:$0x3FB3] =	sst s4  }
0xd: {  	[smem:$0x3FB4] =	sst s5  }
0xe: {  	[smem:$0x3FB5] =	sst s6  }
0xf: {  	[smem:$0x3FB6] =	sst s7  }
0x10: {  	[smem:$0x3FB7] =	sst s8  }
0x11: {  	[smem:$0x3FB8] =	sst s9;
	s0 =	simm.s32 @!p0 $0x0  }
0x12: {  	s1 =	sld [smem:$0x3F9E];
	s0 =	simm.s32 @p0 $0x1  }
0x13: {  	[smem:$0x3FB9] =	sst s0;
	s0 =	simm.s32 @!p1 $0x0  }
0x14: {  	s2 =	sld [smem:$0x3F9D];
	s0 =	simm.s32 @p1 $0x1  }
0x15: {  	[smem:$0x3FBA] =	sst s0;
	s0 =	simm.s32 @!p2 $0x0  }
0x16: {  	s3 =	sld [smem:$0x3FDB];
	s0 =	simm.s32 @p2 $0x1  }
0x17: {  	s4 =	simm.s32 $0x1BF5;
	[smem:$0x3FBC] =	sst s0  }
0x18: {  	s0 =	sld [smem:$0x3F9F];
	_ =	swait.ge [sflag:s4], $0x0  }
0x19: {  	s7 =	sld [smem:$0x3FA0]  }
0x1a: {  	s8 =	sadd.s32 $0xFFFFE003, lr  }
0x1b: {  	s9 =	sadd.s32 $0xFFFFFEF7, lr;
	s5 =	simm.s32 $0xFFFFFFFF;
	p2 =	slt.u32 s8, $0xFFFFF086  }
0x1c: {  	p1 =	slt.u32 s9, $0xF7A;
	s5 =	simm.s32 @!p2 $0x0  }
0x1d: {  	s5 =	simm.s32 @p1 $0x1;
	p0 =	seq.s32 s7, s2  }
0x1e: {  	s7 =	smul.u32 @!p0 $0xF7A, s2;
	p2 =	seq.s32 @!p0 s5, $0x0  }
0x1f: {  	s9 =	smul.u32 $0xF7A, s1;
	s8 =	simm.s32 @!p0 $0x1BF5;
	p2 =	por !p2, p0  }
0x20: {  	[sflag:s8] =	ssyncset.s32 @!p0 $0xFFFFF086;
	s6 =	sadd.s32 @!p0 s3, s7;
	s7 =	simm.s32 @!p0 $0x108  }
0x21: {  	s3 =	sadd.s32 s3, s9;
	s6 =	sadd.s32 @!p0 $0x88, s6;
	s7 =	simm.s32 @p2 $0x1082  }
0x22: {  	[simem:s7], [sflag:s8] =	dma.local @!p0 [hbm:s6], $0xF7A  }
0x23: {  	s9 =	sor.u32 $0xD0000000, s2;
	s6 =	simm.s32 $0x108;
	_ =	swait.ge @!p0 [sflag:s8], $0x0  }
0x24: {  	s3 =	sadd.s32 $0x88, s3;
	s6 =	simm.s32 @!p1 $0x1082;
	[sflag:s4] =	ssyncset.s32 $0xFFFFF086  }
0x25: {  	[simem:s6], [sflag:s4] =	dma.local [hbm:s3], $0xF7A  }
0x26: {  	[smem:$0x3FA0] =	sst s1;
	(tag) =	ssettag s2;
	_ =	strace s9  }
0x27: {  	s1 =	sld [smem:$0x3FB0]  }
0x28: {  	s2 =	sld [smem:$0x3FB1]  }
0x29: {  	s4 =	sld [smem:$0x3FB3]  }
0x2a: {  	p0 =	seq.s32 s5, $0x0;
	s5 =	sld [smem:$0x3FB4]  }
0x2b: {  	s6 =	sld [smem:$0x3FB5]  }
0x2c: {  	s7 =	sld [smem:$0x3FB6]  }
0x2d: {  	s3 =	simm.s32 $0x108;
	s8 =	sld [smem:$0x3FB7]  }
0x2e: {  	s3 =	simm.s32 @!p0 $0x1082;
	s9 =	sld [smem:$0x3FB8]  }
0x2f: {  	lr =	sadd.s32 s0, s3;
	s0 =	sld [smem:$0x3FAF]  }
0x30: {  	s3 =	sld [smem:$0x3FB2]  }
0x31: {  	[smem:$0x3FBB] =	sst s10  }
0x32: {  	s10 =	sld [smem:$0x3FB9];
	_ =	sdelay $0x3  }
0x33: {  	p0 =	seq.s32 s10, $0x1;
	s10 =	sld [smem:$0x3FBB];
	_ =	sdelay $0x3  }
0x34: {  	[smem:$0x3FBB] =	sst s10  }
0x35: {  	s10 =	sld [smem:$0x3FBA];
	_ =	sdelay $0x3  }
0x36: {  	p1 =	seq.s32 s10, $0x1;
	s10 =	sld [smem:$0x3FBB];
	_ =	sdelay $0x3  }
0x37: {  	[smem:$0x3FBB] =	sst s10  }
0x38: {  	s10 =	sld [smem:$0x3FBC]  }
0x39: {  	_ = 	snop;
	(pc) =	sbr.ind lr, $3  }
0x3a: {  	_ = 	snop  }
0x3b: {  	_ = 	snop  }
0x3c: {  	p2 =	seq.s32 s10, $0x1;
	s10 =	sld [smem:$0x3FBB]  }
0x3d: {  	_ =	shalt  }
0x3e: {  	_ =	shalt  }
0x3f: {  	_ =	shalt  }
0x40: {  	_ =	shalt  }
0x41: {  	_ =	shalt  }
0x42: {  	_ =	shalt  }
0x43: {  	_ =	shalt  }
0x44: {  	_ =	shalt  }
0x45: {  	_ =	shalt  }
0x46: {  	_ =	shalt  }
0x47: {  	_ =	shalt  }
0x48: {  	_ =	shalt  }
0x49: {  	_ =	shalt  }
0x4a: {  	_ =	shalt  }
0x4b: {  	_ =	shalt  }
0x4c: {  	_ =	shalt  }
0x4d: {  	_ =	shalt  }
0x4e: {  	_ =	shalt  }
0x4f: {  	_ =	shalt  }
0x50: {  	_ =	shalt  }
0x51: {  	_ =	shalt  }
0x52: {  	_ =	shalt  }
0x53: {  	_ =	shalt  }
0x54: {  	_ =	shalt  }
0x55: {  	_ =	shalt  }
0x56: {  	_ =	shalt  }
0x57: {  	_ =	shalt  }
0x58: {  	_ =	shalt  }
0x59: {  	_ =	shalt  }
0x5a: {  	_ =	shalt  }
0x5b: {  	_ =	shalt  }
0x5c: {  	_ =	shalt  }
0x5d: {  	_ =	shalt  }
0x5e: {  	_ =	shalt  }
0x5f: {  	_ =	shalt  }
0x60: {  	_ =	shalt  }
0x61: {  	_ =	shalt  }
0x62: {  	_ =	shalt  }
0x63: {  	_ =	shalt  }
0x64: {  	_ =	shalt  }
0x65: {  	_ =	shalt  }
0x66: {  	_ =	shalt  }
0x67: {  	_ =	shalt  }
0x68: {  	_ =	shalt  }
0x69: {  	_ =	shalt  }
0x6a: {  	_ =	shalt  }
0x6b: {  	_ =	shalt  }
0x6c: {  	_ =	shalt  }
0x6d: {  	_ =	shalt  }
0x6e: {  	_ =	shalt  }
0x6f: {  	_ =	shalt  }
0x70: {  	_ =	shalt  }
0x71: {  	_ =	shalt  }
0x72: {  	_ =	shalt  }
0x73: {  	_ =	shalt  }
0x74: {  	_ =	shalt  }
0x75: {  	_ =	shalt  }
0x76: {  	_ =	shalt  }
0x77: {  	_ =	shalt  }
0x78: {  	_ =	shalt  }
0x79: {  	_ =	shalt  }
0x7a: {  	_ =	shalt  }
0x7b: {  	_ =	shalt  }
0x7c: {  	_ =	shalt  }
0x7d: {  	_ =	shalt  }
0x7e: {  	_ =	shalt  }
0x7f: {  	_ =	shalt  }
0x80: {  	_ =	shalt  }
0x81: {  	_ =	shalt  }
0x82: {  	_ =	shalt  }
0x83: {  	_ =	shalt  }
0x84: {  	_ =	shalt  }
0x85: {  	_ =	shalt  }
0x86: {  	_ =	shalt  }
0x87: {  	_ =	shalt  }
.Lfunc_end0:
.L_simem_size_0:
called_computation.2_lowered:
.L_overlay_start_0:
0x88: {  	s2 =	sld [smem:$0x3FD9]  }
0x89: {  	s3 =	sld [smem:$0x3FFE];
	_ =	sdelay $0x1  }
0x8a: {  	s1 =	srdreg.scid  }
0x8b: {  	s0 =	sand.u32 $0x1, s1  }
0x8c: {  	s17 =	sshll.u32 s0, $0xA;
	s2 =	sadd.s32 s3, s2  }
0x8d: {  	s2 =	sadd.s32 s2, s17  }
0x8e: {  	[smem:$0x3FC7] =	sst s2  }
0x8f: {  	_ = 	snop  }
0x90: {  	s2 =	sld [smem:$0x3FD0];
	(tm) =	ssettm $0x1  }
0x91: {  	s18 =	sld [smem:$0x3FFB];
	_ =	sdelay $0x3  }
0x92: {  	_ =	strace s18  }
0x93: {  	s3 =	sld [smem:$0x3FFC];
	_ =	sdelay $0x3  }
0x94: {  	_ =	strace s3  }
0x95: {  	s3 =	sld [smem:$0x3FFD];
	_ =	sdelay $0x3  }
0x96: {  	_ =	strace s3  }
0x97: {  	_ =	strace $0x8FFFFFFF  }
0x98: {  	s19 =	sld [smem:$0x3FDB];
	_ =	sdelay $0x1  }
0x99: {  	s4 =	simm.s32 $_scs_section_size  }
0x9a: {  	s5 =	simm.s32 $_size__tile_overlayer_lowered;
	s6 =	simm.s32 $_tile_overlayer_lowered  }
0x9b: {  	s22 =	simm.s32 $0x1BFF;
	s21 =	sshll.u32 s6, $0x1;
	s3 =	sadd.s32 s4, s19  }
0x9c: {  	s7 =	simm.s32 $0x0;
	s20 =	sshll.u32 s5, $0x1;
	s5 =	sadd.s32 s21, s3  }
0x9d: {  	[timem:s7], [sflag:s22] =	dma.local [hbm:s5], s20  }
0x9e: {  	_ =	swait.ge [sflag:s22], s20  }
0x9f: {  	s4 =	ssub.s32 $0x0, s20;
	[sflag:s22] =	ssyncset.done $0x0  }
0xa0: {  	[sflag:s22] =	ssyncadd.s32 s4;
	_ =	sdelay $0x1  }
0xa1: {  	s23 =	simm.s32 $0x1B8B  }
0xa2: {  	_ =	swait.ge [sflag:s23], $0x1  }
0xa3: {  	[sflag:s23] =	ssyncset.done $0x0  }
0xa4: {  	s25 =	simm.s32 $0x1B8E;
	s24 =	sld [smem:$0x3FFE];
	[sflag:s23] =	ssyncadd.s32 $0xFFFFFFFF  }
0xa5: {  	s26 =	simm.s32 $execute0_lowered;
	[smem:$0x3FD2] =	sst s25  }
0xa6: {  	s5 =	sshll.u32 s26, $0x1;
	_ =	strace $0x80000049;
	[dreg:$0x1] =	wrdreg $0xFFFFFFFF  }
0xa7: {  	s28 =	simm.s32 $_size_execute0_lowered;
	s3 =	sadd.s32 s3, s5;
	[dreg:$0x0] =	wrdreg $0x0  }
0xa8: {  	s5 =	sshll.u32 s28, $0x1;
	[dreg:$0x2] =	wrdreg s3  }
0xa9: {  	[dreg:$0x3] =	wrdreg s5  }
0xaa: {  	[dreg:$0x4] =	wrdreg $0xC0  }
0xab: {  	_ =	task [dreg:s7], $0x5FFFF  }
0xac: {  	[dreg:$0x1] =	wrdreg $0xFFFFFFFF  }
0xad: {  	[dreg:$0x0] =	wrdreg $0x60  }
0xae: {  	[dreg:$0x2] =	wrdreg s24  }
0xaf: {  	[dreg:$0x3] =	wrdreg s2  }
0xb0: {  	[dreg:$0x4] =	wrdreg $0x9  }
0xb1: {  	_ =	task.clear_ibuf [dreg:s7], $0x5FFFF;
	_ =	strace $0x90000049  }
0xb2: {  	s29 =	simm.s32 $0x9;
	_ =	strace $0x8000004B  }
0xb3: {  	_ =	swait.ge [sflag:s29], $0x1  }
0xb4: {  	[sflag:s29] =	ssyncadd.s32 $0xFFFFFFFF  }
0xb5: {  	_ =	strace $0x9000004B  }
0xb6: {  	_ =	sfence  }
0xb7: {  	s30 =	sld [smem:$0x0];
	_ =	sdelay $0x2  }
0xb8: {  	s31 =	sshll.u32 s1, $0xD;
	s1 =	sshrl.u32 s1, $0x2  }
0xb9: {  	s3 =	sand.u32 $0x4000, s31;
	s1 =	sadd.s32 s1, s30  }
0xba: {  	s0 =	sor.u32 s3, s0;
	s1 =	sshll.u32 s1, $0x11  }
0xbb: {  	s0 =	sor.u32 s1, s0  }
0xbc: {  	s0 =	sadd.s32 $0x8F2B, s0  }
0xbd: {  	[sflag:s0] =	ssyncadd.remote.s32 $0x1  }
0xbe: {  	_ =	sfence.sel $0xFFFF  }
0xbf: {  	[dreg:$0x0] =	wrdreg $0xFFFFFFFF;
	(pc) =	sbr.abs _section_cstart, $3  }
0xc0: {  	[dreg:$0x1] =	wrdreg $0xFFFFFFFF  }
0xc1: {  	_ =	task.clear_ibuf [dreg:s7], $0x2FFFF;
	_ =	strace $0x9FFFFFFF  }
0xc2: {  	(tm) =	ssettm $0x7FFFFFFF  }
0xc3: {  	_ =	shalt  }
tec
execute0_lowered:
.L_overlay_start_1:
0x0: {  	(tag) =	ssettag $0x1  }
0x1: {  	s1 =	srdreg.scid  }
0x2: {  	s0 =	stileid.u32;
	s4 =	rddreg [dreg:$0x0]  }
0x3: {  	s2 =	rddreg [dreg:$0x1];
	s3 =	simm.s32 $0x0;
	s8 =	simm.s32 $0x2800  }
0x4: {  	s9 =	simm.s32 $0x80;
	s5 =	sand.u32 $0x1, s1;
	s31 =	sshll.u32 s0, $0x1  }
0x5: {  	s10 =	simm.s32 $0x1;
	s11 =	simm.s32 $0x0;
	s6 =	sor.u32 s5, s31  }
0x6: {  	[smem:$0x7FF] =	sst s3;
	s5 =	ssub.s32 $0x2, s5;
	s6 =	smul.u32 $0x500, s6  }
0x7: {  	s1 =	rddreg [dreg:$0x2];
	_ =	strace $0x8000004A;
	s7 =	sshrl.u32 s5, $0x1  }
0x8: {  	s7 =	ssub.s32 s5, s7;
	s6 =	sadd.s32 s6, s4;
	s4 =	sadd.s32 $0x1400, s4  }
0x9: {  	s5 =	sadd.s32 $0x801400, s6;
	s6 =	smax.u32 s7, $0x1;
	s7 =	simm.s32 $0x2  }
.LBB2_1:
0xa: {  	[tilespmem:s3], [sflag:$0x2] =	stream.linear.gather [hbm4b:s5+s3], $0x2800, $0x38;
	[tilespmem:$0x3800] =	vst v63  }
0xb: {  	_ =	swait.ge [sflag:s7], $0x2800  }
0xc: {  	[sflag:s7] =	ssyncset.done $0x0  }
0xd: {  	[sflag:s7] =	ssyncadd.s32 $0xFFFFD800  }
0xe: {  	[tilespmem:s8], [sflag:$0x2] =	stream.linear.gather [hbm4b:s2+s3], $0x1000, $0x38;
	[tilespmem:$0x3800] =	vst v63  }
0xf: {  	_ =	swait.ge [sflag:s7], $0x1000  }
0x10: {  	[sflag:s7] =	ssyncset.done $0x0  }
0x11: {  	s12 =	simm.s32 $0x0;
	[sflag:s7] =	ssyncadd.s32 $0xFFFFF000  }
0x12: {  	[hbm4b:s4+s9] =	stream.indirect.scatter [tilespmem:s8], [sflag:$0x1], $0x20, s12, s9, $0xb8;
	[tilespmem:$0x3800] =	vst v63  }
0x13: {  	s24 =	simm.s32 $0x80  }
0x14: {  	[hbm4b:s4+s9] =	stream.indirect.scatter [tilespmem:s8], [sflag:$0x1], $0x20, s24, s9, $0xb8;
	[tilespmem:$0x3800] =	vst v63  }
0x15: {  	s25 =	simm.s32 $0x100  }
0x16: {  	[hbm4b:s4+s9] =	stream.indirect.scatter [tilespmem:s8], [sflag:$0x1], $0x20, s25, s9, $0xb8;
	[tilespmem:$0x3800] =	vst v63  }
0x17: {  	s26 =	simm.s32 $0x180  }
0x18: {  	[hbm4b:s4+s9] =	stream.indirect.scatter [tilespmem:s8], [sflag:$0x1], $0x20, s26, s9, $0xb8;
	[tilespmem:$0x3800] =	vst v63  }
0x19: {  	s28 =	simm.s32 $0x200  }
0x1a: {  	[hbm4b:s4+s9] =	stream.indirect.scatter [tilespmem:s8], [sflag:$0x1], $0x20, s28, s9, $0xb8;
	[tilespmem:$0x3800] =	vst v63  }
0x1b: {  	s29 =	simm.s32 $0x280  }
0x1c: {  	[hbm4b:s4+s9] =	stream.indirect.scatter [tilespmem:s8], [sflag:$0x1], $0x20, s29, s9, $0xb8;
	[tilespmem:$0x3800] =	vst v63  }
0x1d: {  	s30 =	simm.s32 $0x300  }
0x1e: {  	[hbm4b:s4+s9] =	stream.indirect.scatter [tilespmem:s8], [sflag:$0x1], $0x20, s30, s9, $0xb8;
	[tilespmem:$0x3800] =	vst v63  }
0x1f: {  	s31 =	simm.s32 $0x380  }
0x20: {  	[hbm4b:s4+s9] =	stream.indirect.scatter [tilespmem:s8], [sflag:$0x1], $0x20, s31, s9, $0xb8;
	[tilespmem:$0x3800] =	vst v63  }
0x21: {  	_ =	swait.ge [sflag:s10], $0x1000  }
0x22: {  	[sflag:s10] =	ssyncset.done $0x0  }
0x23: {  	[sflag:s10] =	ssyncadd.s32 $0xFFFFF000  }
0x24: {  	_ =	swait.ge [sflag:s10], $0x1000  }
0x25: {  	[sflag:s10] =	ssyncset.done $0x0  }
0x26: {  	[sflag:s10] =	ssyncadd.s32 $0xFFFFF000  }
0x27: {  	_ =	swait.ge [sflag:s10], $0x1000  }
0x28: {  	[sflag:s10] =	ssyncset.done $0x0  }
0x29: {  	[sflag:s10] =	ssyncadd.s32 $0xFFFFF000  }
0x2a: {  	_ =	swait.ge [sflag:s10], $0x1000  }
0x2b: {  	[sflag:s10] =	ssyncset.done $0x0  }
0x2c: {  	[sflag:s10] =	ssyncadd.s32 $0xFFFFF000  }
0x2d: {  	_ =	swait.ge [sflag:s10], $0x1000  }
0x2e: {  	[sflag:s10] =	ssyncset.done $0x0  }
0x2f: {  	[sflag:s10] =	ssyncadd.s32 $0xFFFFF000  }
0x30: {  	_ =	swait.ge [sflag:s10], $0x1000  }
0x31: {  	[sflag:s10] =	ssyncset.done $0x0  }
0x32: {  	[sflag:s10] =	ssyncadd.s32 $0xFFFFF000  }
0x33: {  	_ =	swait.ge [sflag:s10], $0x1000  }
0x34: {  	[sflag:s10] =	ssyncset.done $0x0  }
0x35: {  	[sflag:s10] =	ssyncadd.s32 $0xFFFFF000  }
0x36: {  	_ =	swait.ge [sflag:s10], $0x1000  }
0x37: {  	s14 =	simm.s32 $0x2000;
	s12 =	simm.s32 $0x1000;
	[sflag:s10] =	ssyncset.done $0x0  }
.LBB2_2:
0x38: {  	s15 =	sshra.s32 s12, $0x2  }
0x39: {  	[sflag:s10] =	ssyncadd.s32 $0xFFFFF000;
	s12 =	smov.u32 s14;
	s13 =	sadd.s32 $0x1000, s14  }
0x3a: {  	[hbm4b:s4+s9] =	stream.indirect.scatter [tilespmem:s8], [sflag:$0x1], $0x20, s15, s9, $0xb8;
	[tilespmem:$0x3800] =	vst v63  }
0x3b: {  	p0 =	sne.s32 s14, $0x9000;
	s14 =	sadd.s32 $0x80, s15  }
0x3c: {  	[hbm4b:s4+s9] =	stream.indirect.scatter [tilespmem:s8], [sflag:$0x1], $0x20, s14, s9, $0xb8;
	[tilespmem:$0x3800] =	vst v63  }
0x3d: {  	s14 =	sadd.s32 $0x100, s15  }
0x3e: {  	[hbm4b:s4+s9] =	stream.indirect.scatter [tilespmem:s8], [sflag:$0x1], $0x20, s14, s9, $0xb8;
	[tilespmem:$0x3800] =	vst v63  }
0x3f: {  	s14 =	sadd.s32 $0x180, s15  }
0x40: {  	[hbm4b:s4+s9] =	stream.indirect.scatter [tilespmem:s8], [sflag:$0x1], $0x20, s14, s9, $0xb8;
	[tilespmem:$0x3800] =	vst v63  }
0x41: {  	s14 =	sadd.s32 $0x200, s15  }
0x42: {  	[hbm4b:s4+s9] =	stream.indirect.scatter [tilespmem:s8], [sflag:$0x1], $0x20, s14, s9, $0xb8;
	[tilespmem:$0x3800] =	vst v63  }
0x43: {  	s14 =	sadd.s32 $0x280, s15  }
0x44: {  	[hbm4b:s4+s9] =	stream.indirect.scatter [tilespmem:s8], [sflag:$0x1], $0x20, s14, s9, $0xb8;
	[tilespmem:$0x3800] =	vst v63  }
0x45: {  	s14 =	sadd.s32 $0x300, s15  }
0x46: {  	[hbm4b:s4+s9] =	stream.indirect.scatter [tilespmem:s8], [sflag:$0x1], $0x20, s14, s9, $0xb8;
	[tilespmem:$0x3800] =	vst v63  }
0x47: {  	s14 =	sadd.s32 $0x380, s15  }
0x48: {  	[hbm4b:s4+s9] =	stream.indirect.scatter [tilespmem:s8], [sflag:$0x1], $0x20, s14, s9, $0xb8;
	[tilespmem:$0x3800] =	vst v63  }
0x49: {  	_ =	swait.ge [sflag:s10], $0x1000  }
0x4a: {  	[sflag:s10] =	ssyncset.done $0x0  }
0x4b: {  	[sflag:s10] =	ssyncadd.s32 $0xFFFFF000  }
0x4c: {  	_ =	swait.ge [sflag:s10], $0x1000  }
0x4d: {  	[sflag:s10] =	ssyncset.done $0x0  }
0x4e: {  	[sflag:s10] =	ssyncadd.s32 $0xFFFFF000  }
0x4f: {  	_ =	swait.ge [sflag:s10], $0x1000  }
0x50: {  	[sflag:s10] =	ssyncset.done $0x0  }
0x51: {  	[sflag:s10] =	ssyncadd.s32 $0xFFFFF000  }
0x52: {  	_ =	swait.ge [sflag:s10], $0x1000  }
0x53: {  	[sflag:s10] =	ssyncset.done $0x0  }
0x54: {  	[sflag:s10] =	ssyncadd.s32 $0xFFFFF000  }
0x55: {  	_ =	swait.ge [sflag:s10], $0x1000  }
0x56: {  	[sflag:s10] =	ssyncset.done $0x0  }
0x57: {  	[sflag:s10] =	ssyncadd.s32 $0xFFFFF000  }
0x58: {  	_ =	swait.ge [sflag:s10], $0x1000  }
0x59: {  	[sflag:s10] =	ssyncset.done $0x0  }
0x5a: {  	[sflag:s10] =	ssyncadd.s32 $0xFFFFF000  }
.Ltmp0:
0x5b: {  	_ =	swait.ge [sflag:s10], $0x1000;
	(pc) =	sbr.rel @p0 .LBB2_2-.Ltmp0, $4  }
0x5c: {  	[sflag:s10] =	ssyncset.done $0x0  }
0x5d: {  	[sflag:s10] =	ssyncadd.s32 $0xFFFFF000  }
0x5e: {  	_ =	swait.ge [sflag:s10], $0x1000  }
0x5f: {  	s14 =	smov.u32 s13;
	[sflag:s10] =	ssyncset.done $0x0  }
0x60: {  	s12 =	sshra.s32 s12, $0x2;
	[sflag:s10] =	ssyncadd.s32 $0xFFFFF000  }
0x61: {  	[hbm4b:s4+s9] =	stream.indirect.scatter [tilespmem:s8], [sflag:$0x1], $0x20, s12, s9, $0xb8;
	[tilespmem:$0x3800] =	vst v63  }
0x62: {  	s13 =	sadd.s32 $0x80, s12  }
0x63: {  	[hbm4b:s4+s9] =	stream.indirect.scatter [tilespmem:s8], [sflag:$0x1], $0x20, s13, s9, $0xb8;
	[tilespmem:$0x3800] =	vst v63  }
0x64: {  	s26 =	sadd.s32 $0x100, s12  }
0x65: {  	[hbm4b:s4+s9] =	stream.indirect.scatter [tilespmem:s8], [sflag:$0x1], $0x20, s26, s9, $0xb8;
	[tilespmem:$0x3800] =	vst v63  }
0x66: {  	s28 =	sadd.s32 $0x180, s12  }
0x67: {  	[hbm4b:s4+s9] =	stream.indirect.scatter [tilespmem:s8], [sflag:$0x1], $0x20, s28, s9, $0xb8;
	[tilespmem:$0x3800] =	vst v63  }
0x68: {  	s29 =	sadd.s32 $0x200, s12  }
0x69: {  	[hbm4b:s4+s9] =	stream.indirect.scatter [tilespmem:s8], [sflag:$0x1], $0x20, s29, s9, $0xb8;
	[tilespmem:$0x3800] =	vst v63  }
0x6a: {  	s30 =	sadd.s32 $0x280, s12  }
0x6b: {  	[hbm4b:s4+s9] =	stream.indirect.scatter [tilespmem:s8], [sflag:$0x1], $0x20, s30, s9, $0xb8;
	[tilespmem:$0x3800] =	vst v63  }
0x6c: {  	s31 =	sadd.s32 $0x300, s12  }
0x6d: {  	[hbm4b:s4+s9] =	stream.indirect.scatter [tilespmem:s8], [sflag:$0x1], $0x20, s31, s9, $0xb8;
	[tilespmem:$0x3800] =	vst v63  }
0x6e: {  	s12 =	sadd.s32 $0x380, s12  }
0x6f: {  	[hbm4b:s4+s9] =	stream.indirect.scatter [tilespmem:s8], [sflag:$0x1], $0x20, s12, s9, $0xb8;
	[tilespmem:$0x3800] =	vst v63  }
0x70: {  	_ =	swait.ge [sflag:s10], $0x1000  }
0x71: {  	[sflag:s10] =	ssyncset.done $0x0  }
0x72: {  	[sflag:s10] =	ssyncadd.s32 $0xFFFFF000  }
0x73: {  	_ =	swait.ge [sflag:s10], $0x1000  }
0x74: {  	[sflag:s10] =	ssyncset.done $0x0  }
0x75: {  	[sflag:s10] =	ssyncadd.s32 $0xFFFFF000  }
0x76: {  	_ =	swait.ge [sflag:s10], $0x1000  }
0x77: {  	[sflag:s10] =	ssyncset.done $0x0  }
0x78: {  	[sflag:s10] =	ssyncadd.s32 $0xFFFFF000  }
0x79: {  	_ =	swait.ge [sflag:s10], $0x1000  }
0x7a: {  	[sflag:s10] =	ssyncset.done $0x0  }
0x7b: {  	[sflag:s10] =	ssyncadd.s32 $0xFFFFF000  }
0x7c: {  	_ =	swait.ge [sflag:s10], $0x1000  }
0x7d: {  	[sflag:s10] =	ssyncset.done $0x0  }
0x7e: {  	[sflag:s10] =	ssyncadd.s32 $0xFFFFF000  }
0x7f: {  	_ =	swait.ge [sflag:s10], $0x1000  }
0x80: {  	[sflag:s10] =	ssyncset.done $0x0  }
0x81: {  	s11 =	sadd.s32 $0x1, s11;
	[sflag:s10] =	ssyncadd.s32 $0xFFFFF000  }
0x82: {  	p0 =	sne.s32 s11, s6;
	_ =	swait.ge [sflag:s10], $0x1000  }
.Ltmp1:
0x83: {  	[sflag:s10] =	ssyncset.done $0x0;
	(pc) =	sbr.rel @p0 .LBB2_1-.Ltmp1, $4  }
0x84: {  	[sflag:s10] =	ssyncadd.s32 $0xFFFFF000  }
0x85: {  	_ =	swait.ge [sflag:s10], $0x1000  }
0x86: {  	[sflag:s10] =	ssyncset.done $0x0  }
0x87: {  	[sflag:s10] =	ssyncadd.s32 $0xFFFFF000  }
0x88: {  	_ =	sfence.sel $0x180000  }
0x89: {  	[bflag:$0x0] =	sbarrier.arrive $0xFFFF  }
0x8a: {  	p0 =	sne.s32 s0, $0x0;
	_ =	strace $0x9000004A  }
0x8b: {  	s0 =	sadd.s32 @!p0 $0x100000, s1;
	[bflag:$0x2] =	sbarrier.arrive $0xFFFF  }
0x8c: {  	[sflag:s0] =	ssyncadd.tile.s32 @!p0 $0x1;
	_ =	shalt  }
.Lfunc_end2:
_tile_overlayer_lowered:
.L_overlay_start_2:
0x8d: {  	(tag) =	ssettag $0x2  }
0x8e: {  	s0 =	rddreg [dreg:$0x0];
	s2 =	stileid.u32  }
0x8f: {  	s1 =	rddreg [dreg:$0x1];
	p0 =	sne.s32 s2, $0x0  }
0x90: {  	s3 =	rddreg [dreg:$0x2];
	[bflag:$0x3] =	sbarrier.arrive $0xFFFF;
	s2 =	simm.s32 @!p0 $0x1C02  }
0x91: {  	[timem:s3], [sflag:s2] =	dma.local @!p0 [hbm:s0], s1  }
0x92: {  	s0 =	simm.s32 @!p0 $0x2  }
0x93: {  	_ =	swait.ge @!p0 [sflag:s0], s1  }
0x94: {  	s1 =	ssub.s32 @!p0 $0x0, s1;
	[sflag:s0] =	ssyncset.done @!p0 $0x0  }
0x95: {  	[sflag:s0] =	ssyncadd.s32 @!p0 s1  }
0x96: {  	[bflag:$0x3] =	sbarrier.arrive $0xFFFF  }
0x97: {  	_ =	shalt  }

// kernel: sparse-core-data-format-call.1.cloned.1.call-start
scs
called_computation.1_lowered:
.L_overlay_start_0:
0x0: {  	s2 =	sld [smem:$0x3FD9]  }
0x1: {  	s3 =	sld [smem:$0x3FFE];
	_ =	sdelay $0x1  }
0x2: {  	s1 =	srdreg.scid  }
0x3: {  	s0 =	sand.u32 $0x1, s1  }
0x4: {  	s18 =	sshll.u32 s0, $0xA;
	s2 =	sadd.s32 s3, s2  }
0x5: {  	s2 =	sadd.s32 s2, s18  }
0x6: {  	[smem:$0x3FC7] =	sst s2  }
0x7: {  	_ = 	snop  }
0x8: {  	s2 =	sld [smem:$0x3FD0];
	(tm) =	ssettm $0x1  }
0x9: {  	s19 =	sld [smem:$0x3FFB];
	_ =	sdelay $0x3  }
0xa: {  	_ =	strace s19  }
0xb: {  	s3 =	sld [smem:$0x3FFC];
	_ =	sdelay $0x3  }
0xc: {  	_ =	strace s3  }
0xd: {  	s3 =	sld [smem:$0x3FFD];
	_ =	sdelay $0x3  }
0xe: {  	_ =	strace s3  }
0xf: {  	_ =	strace $0x8FFFFFFF  }
0x10: {  	s20 =	sld [smem:$0x3FDB];
	_ =	sdelay $0x1  }
0x11: {  	s4 =	simm.s32 $_scs_section_size  }
0x12: {  	s5 =	simm.s32 $_size__tile_overlayer_lowered;
	s6 =	simm.s32 $_tile_overlayer_lowered  }
0x13: {  	s23 =	simm.s32 $0x1BFF;
	s22 =	sshll.u32 s6, $0x1;
	s3 =	sadd.s32 s4, s20  }
0x14: {  	s7 =	simm.s32 $0x0;
	s21 =	sshll.u32 s5, $0x1;
	s5 =	sadd.s32 s22, s3  }
0x15: {  	[timem:s7], [sflag:s23] =	dma.local [hbm:s5], s21  }
0x16: {  	_ =	swait.ge [sflag:s23], s21  }
0x17: {  	s4 =	ssub.s32 $0x0, s21;
	[sflag:s23] =	ssyncset.done $0x0  }
0x18: {  	[sflag:s23] =	ssyncadd.s32 s4;
	_ =	sdelay $0x1  }
0x19: {  	s24 =	simm.s32 $0x1B8B  }
0x1a: {  	_ =	swait.ge [sflag:s24], $0x1  }
0x1b: {  	[sflag:s24] =	ssyncset.done $0x0  }
0x1c: {  	s26 =	simm.s32 $0x1B8E;
	s25 =	sld [smem:$0x3FFE];
	[sflag:s24] =	ssyncadd.s32 $0xFFFFFFFF  }
0x1d: {  	s27 =	simm.s32 $execute0_lowered;
	[smem:$0x3FD2] =	sst s26  }
0x1e: {  	s5 =	sshll.u32 s27, $0x1;
	_ =	strace $0x80000046;
	[dreg:$0x1] =	wrdreg $0xFFFFFFFF  }
0x1f: {  	s28 =	simm.s32 $_size_execute0_lowered;
	s3 =	sadd.s32 s3, s5;
	[dreg:$0x0] =	wrdreg $0x0  }
0x20: {  	s5 =	sshll.u32 s28, $0x1;
	[dreg:$0x2] =	wrdreg s3  }
0x21: {  	[dreg:$0x3] =	wrdreg s5  }
0x22: {  	[dreg:$0x4] =	wrdreg $0xC0  }
0x23: {  	_ =	task [dreg:s7], $0x5FFFF  }
0x24: {  	[dreg:$0x1] =	wrdreg $0xFFFFFFFF  }
0x25: {  	[dreg:$0x0] =	wrdreg $0x60  }
0x26: {  	[dreg:$0x2] =	wrdreg s2  }
0x27: {  	[dreg:$0x3] =	wrdreg s25  }
0x28: {  	[dreg:$0x4] =	wrdreg $0x9  }
0x29: {  	_ =	task.clear_ibuf [dreg:s7], $0x5FFFF;
	_ =	strace $0x90000046  }
0x2a: {  	s29 =	simm.s32 $0x9;
	_ =	strace $0x80000048  }
0x2b: {  	_ =	swait.ge [sflag:s29], $0x1  }
0x2c: {  	[sflag:s29] =	ssyncadd.s32 $0xFFFFFFFF  }
0x2d: {  	_ =	strace $0x90000048  }
0x2e: {  	_ =	sfence  }
0x2f: {  	s30 =	sld [smem:$0x0];
	_ =	sdelay $0x2  }
0x30: {  	s31 =	sshll.u32 s1, $0xD;
	s1 =	sshrl.u32 s1, $0x2  }
0x31: {  	s3 =	sand.u32 $0x4000, s31;
	s1 =	sadd.s32 s1, s30  }
0x32: {  	s0 =	sor.u32 s3, s0;
	s1 =	sshll.u32 s1, $0x11  }
0x33: {  	s0 =	sor.u32 s1, s0  }
0x34: {  	s0 =	sadd.s32 $0x8F2B, s0  }
0x35: {  	[sflag:s0] =	ssyncadd.remote.s32 $0x1  }
0x36: {  	_ =	sfence.sel $0xFFFF  }
0x37: {  	[dreg:$0x0] =	wrdreg $0xFFFFFFFF;
	(pc) =	sbr.abs _section_cstart, $3  }
0x38: {  	[dreg:$0x1] =	wrdreg $0xFFFFFFFF  }
0x39: {  	_ =	task.clear_ibuf [dreg:s7], $0x2FFFF;
	_ =	strace $0x9FFFFFFF  }
0x3a: {  	(tm) =	ssettm $0x7FFFFFFF  }
0x3b: {  	_ =	shalt  }
tec
execute0_lowered:
.L_overlay_start_1:
0x0: {  	(tag) =	ssettag $0x1  }
0x1: {  	s2 =	rddreg [dreg:$0x0]  }
0x2: {  	s1 =	rddreg [dreg:$0x1]  }
0x3: {  	s0 =	rddreg [dreg:$0x2];
	_ =	strace $0x80000047;
	s4 =	srdreg.scid  }
0x4: {  	s6 =	simm.s32 $0x2;
	s11 =	simm.s32 $0x0;
	p0 =	por $0x0, $0x0  }
.Ltmp0:
0x5: {  	s7 =	simm.s32 $0x10000;
	s12 =	simm.s32 $0x0;
	(pc) =	sbr.rel .LBB1_1-.Ltmp0, $4  }
0x6: {  	s9 =	simm.s32 $0x0;
	s3 =	sadd.s32 $0x1400, s1;
	s5 =	sshll.u32 s4, $0x4  }
0x7: {  	s1 =	stileid.u32;
	s4 =	simm.s32 $0x1;
	s5 =	sand.u32 $0x10, s5  }
0x8: {  	s8 =	simm.s32 $0x0;
	[sflag:s4] =	ssyncpa.u1 $0x0;
	s5 =	sor.u32 s1, s5  }
0x9: {  	[sflag:s6] =	ssyncpa.u1 $0x0;
	s6 =	simm.s32 $0x800;
	s10 =	smov.u32 s5  }
.LBB1_7:
0xa: {  	s13 =	sadd.s32 $0x10, s9  }
0xb: {  	s11 =	sadd.s32 $0x20, s10;
	s15 =	smov.u32 s10;
	p2 =	sgt.s32 s13, $0x1FF  }
0xc: {  	p1 =	slt.u32 s8, $0x2;
	s15 =	smov.u32 @p2 s11  }
0xd: {  	s8 =	sadd.s32 $0x1, s8;
	s13 =	simm.s32 @p2 $0x0;
	p2 =	sgt.s32 s15, $0x7F  }
0xe: {  	s15 =	smov.u32 @p2 s5;
	p2 =	sne.s32 s8, $0x82  }
.Ltmp1:
0xf: {  	_ = 	snop;
	(pc) =	sbr.rel @!p2 .LBB1_8-.Ltmp1, $4  }
0x10: {  	s14 =	simm.s32 @!p1 $0x2  }
0x11: {  	s12 =	smov.u32 s10;
	_ =	swait.ge @!p1 [sflag:s14], $0x4000  }
0x12: {  	p0 =	por !p0, !p0;
	s11 =	smov.u32 s9;
	[sflag:s14] =	ssyncset.done @!p1 $0x0  }
0x13: {  	s9 =	smov.u32 s13;
	[sflag:s14] =	ssyncadd.s32 @!p1 $0xFFFFC000;
	s10 =	smov.u32 s15  }
.LBB1_1:
0x14: {  	p1 =	sgt.u32 s8, $0x7F  }
0x15: {  	s13 =	sxor.u32 @!p1 $0xFFFFFFFF, s8;
	s14 =	sshll.u32 @!p1 s10, $0x10  }
0x16: {  	s15 =	sshll.u32 @!p1 s9, $0x7;
	s13 =	sshll.u32 @!p1 s13, $0xE;
	s14 =	sadd.s32 @!p1 s2, s14  }
0x17: {  	s13 =	sand.u32 @!p1 $0x4000, s13;
	s14 =	sadd.s32 @!p1 s15, s14;
	s15 =	simm.s32 @!p1 $0x0  }
0x18: {  	[tilespmem:s13], [sflag:$0x1] =	stream.linear.gather @!p1 [hbm4b:s14+s15], $0x4000, $0x38;
	[tilespmem:$0x10000] =	vst v63  }
0x19: {  	p1 =	seq.s32 s8, $0x0  }
0x1a: {  	p2 =	seq.s32 @!p1 s8, $0x81  }
0x1b: {  	p1 =	por p1, p2  }
.Ltmp2:
0x1c: {  	_ = 	snop;
	(pc) =	sbr.rel @p1 .LBB1_7-.Ltmp2, $1  }
0x1d: {  	_ =	sdelay $0x3  }
0x1e: {  	s13 =	simm.s32 $0x1;
	_ =	swait.ge [sflag:s4], $0x4000;
	s16 =	sshll.u32 s8, $0xE  }
0x1f: {  	s13 =	simm.s32 @!p0 $0x0;
	[sflag:s4] =	ssyncset.done $0x0;
	s31 =	sand.u32 $0x4000, s16  }
0x20: {  	s16 =	simm.s32 $0x0;
	s14 =	sshll.u32 s13, $0xE;
	[sflag:s4] =	ssyncadd.s32 $0xFFFFC000  }
0x21: {  	s13 =	sor.u32 $0x8040, s14;
	s15 =	sor.u32 $0x40, s14;
	s14 =	sor.u32 $0x8000, s31  }
.LBB1_3:
0x22: {  	v0 =	vmov s15;
	_ =	sdelay $0x3  }
0x23: {  	s18 =	simm.s32 $0x0  }
0x24: {  	v6 =	vld.idx.msk [tilespmem:v0+s18+$0x30 ss:$0x1], $0xffff  }
0x25: {  	v7 =	vld.idx.msk [tilespmem:v0+s18+$0xFFFFFFC0 ss:$0x1], $0xffff  }
0x26: {  	v5 =	vld.idx.msk [tilespmem:v0+s18+$0xFFFFFFD0 ss:$0x1], $0xffff  }
0x27: {  	v4 =	vld.idx.msk [tilespmem:v0+s18+$0xFFFFFFE0 ss:$0x1], $0xffff  }
0x28: {  	v3 =	vld.idx.msk [tilespmem:v0+s18+$0xFFFFFFF0 ss:$0x1], $0xffff  }
0x29: {  	v1 =	vld.idx.msk [tilespmem:v0+s18+$0x0 ss:$0x1], $0xffff  }
0x2a: {  	v2 =	vld.idx.msk [tilespmem:v0+s18+$0x10 ss:$0x1], $0xffff;
	[tilespmem:s13+$0x30] =	vst v6  }
0x2b: {  	s17 =	simm.s32 $0x80;
	s19 =	simm.s32 $0x400;
	[tilespmem:s13+$0xFFFFFFC0] =	vst v7;
	v6 =	vld.idx.msk [tilespmem:v0+s18+$0x20 ss:$0x1], $0xffff;
	s18 =	smov.u32 s13  }
.LBB1_4:
0x2c: {  	p1 =	sne.s32 s19, $0xE00;
	v7 =	vld.idx.msk [tilespmem:v0+s17+$0x30 ss:$0x1], $0xffff;
	[tilespmem:s18+$0xFFFFFFD0] =	vst v5  }
0x2d: {  	v8 =	vld.idx.msk [tilespmem:v0+s17+$0xFFFFFFC0 ss:$0x1], $0xffff;
	[tilespmem:s18+$0xFFFFFFE0] =	vst v4  }
0x2e: {  	v5 =	vld.idx.msk [tilespmem:v0+s17+$0xFFFFFFD0 ss:$0x1], $0xffff;
	[tilespmem:s18+$0xFFFFFFF0] =	vst v3  }
.Ltmp3:
0x2f: {  	v4 =	vld.idx.msk [tilespmem:v0+s17+$0xFFFFFFE0 ss:$0x1], $0xffff;
	[tilespmem:s18+$0x0] =	vst v1;
	(pc) =	sbr.rel @p1 .LBB1_4-.Ltmp3, $4  }
0x30: {  	v3 =	vld.idx.msk [tilespmem:v0+s17+$0xFFFFFFF0 ss:$0x1], $0xffff;
	[tilespmem:s18+$0x10] =	vst v2  }
0x31: {  	v1 =	vld.idx.msk [tilespmem:v0+s17+$0x0 ss:$0x1], $0xffff;
	[tilespmem:s18+$0x20] =	vst v6;
	s18 =	sadd.s32 $0x800, s18  }
0x32: {  	v2 =	vld.idx.msk [tilespmem:v0+s17+$0x10 ss:$0x1], $0xffff;
	[tilespmem:s18+$0x30] =	vst v7  }
0x33: {  	[tilespmem:s18+$0xFFFFFFC0] =	vst v8;
	v6 =	vld.idx.msk [tilespmem:v0+s17+$0x20 ss:$0x1], $0xffff;
	s17 =	sshra.s32 s19, $0x2;
	s19 =	sadd.s32 $0x200, s19  }
0x34: {  	_ =	sdelay $0x2  }
0x35: {  	[tilespmem:s18+$0xFFFFFFD0] =	vst v5  }
0x36: {  	v56 =	vld.idx.msk [tilespmem:v0+s17+$0x30 ss:$0x1], $0xffff;
	[tilespmem:s18+$0xFFFFFFE0] =	vst v4  }
0x37: {  	v57 =	vld.idx.msk [tilespmem:v0+s17+$0xFFFFFFC0 ss:$0x1], $0xffff;
	[tilespmem:s18+$0xFFFFFFF0] =	vst v3  }
0x38: {  	v58 =	vld.idx.msk [tilespmem:v0+s17+$0xFFFFFFD0 ss:$0x1], $0xffff;
	[tilespmem:s18+$0x0] =	vst v1  }
0x39: {  	v59 =	vld.idx.msk [tilespmem:v0+s17+$0xFFFFFFE0 ss:$0x1], $0xffff;
	[tilespmem:s18+$0x10] =	vst v2  }
0x3a: {  	v60 =	vld.idx.msk [tilespmem:v0+s17+$0xFFFFFFF0 ss:$0x1], $0xffff;
	s31 =	sadd.s32 $0x800, s18;
	[tilespmem:s18+$0x20] =	vst v6  }
0x3b: {  	v61 =	vld.idx.msk [tilespmem:v0+s17+$0x0 ss:$0x1], $0xffff;
	[tilespmem:s31+$0x30] =	vst v56  }
0x3c: {  	v62 =	vld.idx.msk [tilespmem:v0+s17+$0x10 ss:$0x1], $0xffff;
	s16 =	sadd.s32 $0x1, s16;
	[tilespmem:s31+$0xFFFFFFC0] =	vst v57  }
0x3d: {  	v63 =	vld.idx.msk [tilespmem:v0+s17+$0x20 ss:$0x1], $0xffff;
	p1 =	sne.s32 s16, $0x10;
	[tilespmem:s31+$0xFFFFFFD0] =	vst v58  }
.Ltmp4:
0x3e: {  	[tilespmem:s31+$0xFFFFFFE0] =	vst v59;
	(pc) =	sbr.rel @p1 .LBB1_3-.Ltmp4, $4  }
0x3f: {  	[tilespmem:s31+$0xFFFFFFF0] =	vst v60  }
0x40: {  	[tilespmem:s31+$0x0] =	vst v61  }
0x41: {  	[tilespmem:s31+$0x10] =	vst v62  }
0x42: {  	s13 =	sadd.s32 $0x80, s13;
	s15 =	sadd.s32 $0x400, s15;
	[tilespmem:s31+$0x20] =	vst v63  }
.Ltmp5:
0x43: {  	(pc) =	sbr.rel .LBB1_7-.Ltmp5, $4  }
0x44: {  	s12 =	sshll.u32 s12, $0x10;
	s11 =	sshll.u32 s11, $0x4  }
0x45: {  	s11 =	sand.u32 $0x1FF0, s11;
	s12 =	sadd.s32 s3, s12  }
0x46: {  	s11 =	sadd.s32 s11, s12  }
0x47: {  	[hbm4b:s11+s6] =	stream.strided.scatter [tilespmem:s14], [sflag:$0x2], $0x4000, s7, s6, $0x38;
	[tilespmem:$0x10000] =	vst v63  }
.LBB1_8:
0x48: {  	_ =	sfence.sel $0x180000  }
0x49: {  	s2 =	simm.s32 $0x1;
	[bflag:$0x0] =	sbarrier.arrive $0xFFFF  }
0x4a: {  	s31 =	simm.s32 $0x2;
	[sflag:s2] =	ssyncpa.u1 $0x1  }
0x4b: {  	[sflag:s31] =	ssyncpa.u1 $0x1  }
0x4c: {  	p0 =	sne.s32 s1, $0x0;
	_ =	strace $0x90000047  }
0x4d: {  	s0 =	sadd.s32 @!p0 $0x100000, s0;
	[bflag:$0x2] =	sbarrier.arrive $0xFFFF  }
0x4e: {  	[sflag:s0] =	ssyncadd.tile.s32 @!p0 $0x1;
	_ =	shalt  }
.Lfunc_end1:
_tile_overlayer_lowered:
.L_overlay_start_2:
0x4f: {  	(tag) =	ssettag $0x2  }
0x50: {  	s0 =	rddreg [dreg:$0x0];
	s2 =	stileid.u32  }
0x51: {  	s1 =	rddreg [dreg:$0x1];
	p0 =	sne.s32 s2, $0x0  }
0x52: {  	s3 =	rddreg [dreg:$0x2];
	[bflag:$0x3] =	sbarrier.arrive $0xFFFF;
	s2 =	simm.s32 @!p0 $0x1C01  }
0x53: {  	[timem:s3], [sflag:s2] =	dma.local @!p0 [hbm:s0], s1  }
0x54: {  	s0 =	simm.s32 @!p0 $0x1  }
0x55: {  	_ =	swait.ge @!p0 [sflag:s0], s1  }
0x56: {  	s1 =	ssub.s32 @!p0 $0x0, s1;
	[sflag:s0] =	ssyncset.done @!p0 $0x0  }
0x57: {  	[sflag:s0] =	ssyncadd.s32 @!p0 s1  }
0x58: {  	[bflag:$0x3] =	sbarrier.arrive $0xFFFF  }
0x59: {  	_ =	shalt  }

// kernel: sparse-core-data-format-call.cloned.1.call-start
scs
called_computation_lowered:
.L_overlay_start_0:
0x0: {  	s2 =	sld [smem:$0x3FD9]  }
0x1: {  	s3 =	sld [smem:$0x3FFE];
	_ =	sdelay $0x1  }
0x2: {  	s1 =	srdreg.scid  }
0x3: {  	s0 =	sand.u32 $0x1, s1  }
0x4: {  	s18 =	sshll.u32 s0, $0xA;
	s2 =	sadd.s32 s3, s2  }
0x5: {  	s2 =	sadd.s32 s2, s18  }
0x6: {  	[smem:$0x3FC7] =	sst s2  }
0x7: {  	_ = 	snop  }
0x8: {  	s2 =	sld [smem:$0x3FD0];
	(tm) =	ssettm $0x1  }
0x9: {  	s19 =	sld [smem:$0x3FFB];
	_ =	sdelay $0x3  }
0xa: {  	_ =	strace s19  }
0xb: {  	s3 =	sld [smem:$0x3FFC];
	_ =	sdelay $0x3  }
0xc: {  	_ =	strace s3  }
0xd: {  	s3 =	sld [smem:$0x3FFD];
	_ =	sdelay $0x3  }
0xe: {  	_ =	strace s3  }
0xf: {  	_ =	strace $0x8FFFFFFF  }
0x10: {  	s20 =	sld [smem:$0x3FDB];
	_ =	sdelay $0x1  }
0x11: {  	s4 =	simm.s32 $_scs_section_size  }
0x12: {  	s5 =	simm.s32 $_size__tile_overlayer_lowered;
	s6 =	simm.s32 $_tile_overlayer_lowered  }
0x13: {  	s23 =	simm.s32 $0x1BFF;
	s22 =	sshll.u32 s6, $0x1;
	s3 =	sadd.s32 s4, s20  }
0x14: {  	s7 =	simm.s32 $0x0;
	s21 =	sshll.u32 s5, $0x1;
	s5 =	sadd.s32 s22, s3  }
0x15: {  	[timem:s7], [sflag:s23] =	dma.local [hbm:s5], s21  }
0x16: {  	_ =	swait.ge [sflag:s23], s21  }
0x17: {  	s4 =	ssub.s32 $0x0, s21;
	[sflag:s23] =	ssyncset.done $0x0  }
0x18: {  	[sflag:s23] =	ssyncadd.s32 s4;
	_ =	sdelay $0x1  }
0x19: {  	s24 =	simm.s32 $0x1B8B  }
0x1a: {  	_ =	swait.ge [sflag:s24], $0x1  }
0x1b: {  	[sflag:s24] =	ssyncset.done $0x0  }
0x1c: {  	s26 =	simm.s32 $0x1B8E;
	s25 =	sld [smem:$0x3FFE];
	[sflag:s24] =	ssyncadd.s32 $0xFFFFFFFF  }
0x1d: {  	s27 =	simm.s32 $execute0_lowered;
	[smem:$0x3FD2] =	sst s26  }
0x1e: {  	s5 =	sshll.u32 s27, $0x1;
	_ =	strace $0x8000004C;
	[dreg:$0x1] =	wrdreg $0xFFFFFFFF  }
0x1f: {  	s28 =	simm.s32 $_size_execute0_lowered;
	s3 =	sadd.s32 s3, s5;
	[dreg:$0x0] =	wrdreg $0x0  }
0x20: {  	s5 =	sshll.u32 s28, $0x1;
	[dreg:$0x2] =	wrdreg s3  }
0x21: {  	[dreg:$0x3] =	wrdreg s5  }
0x22: {  	[dreg:$0x4] =	wrdreg $0xC0  }
0x23: {  	_ =	task [dreg:s7], $0x5FFFF  }
0x24: {  	[dreg:$0x1] =	wrdreg $0xFFFFFFFF  }
0x25: {  	[dreg:$0x0] =	wrdreg $0x60  }
0x26: {  	[dreg:$0x2] =	wrdreg s25  }
0x27: {  	[dreg:$0x3] =	wrdreg s2  }
0x28: {  	[dreg:$0x4] =	wrdreg $0x9  }
0x29: {  	_ =	task.clear_ibuf [dreg:s7], $0x5FFFF;
	_ =	strace $0x9000004C  }
0x2a: {  	s29 =	simm.s32 $0x9;
	_ =	strace $0x8000004E  }
0x2b: {  	_ =	swait.ge [sflag:s29], $0x1  }
0x2c: {  	[sflag:s29] =	ssyncadd.s32 $0xFFFFFFFF  }
0x2d: {  	_ =	strace $0x9000004E  }
0x2e: {  	_ =	sfence  }
0x2f: {  	s30 =	sld [smem:$0x0];
	_ =	sdelay $0x2  }
0x30: {  	s31 =	sshll.u32 s1, $0xD;
	s1 =	sshrl.u32 s1, $0x2  }
0x31: {  	s3 =	sand.u32 $0x4000, s31;
	s1 =	sadd.s32 s1, s30  }
0x32: {  	s0 =	sor.u32 s3, s0;
	s1 =	sshll.u32 s1, $0x11  }
0x33: {  	s0 =	sor.u32 s1, s0  }
0x34: {  	s0 =	sadd.s32 $0x8F2B, s0  }
0x35: {  	[sflag:s0] =	ssyncadd.remote.s32 $0x1  }
0x36: {  	_ =	sfence.sel $0xFFFF  }
0x37: {  	[dreg:$0x0] =	wrdreg $0xFFFFFFFF;
	(pc) =	sbr.abs _section_cstart, $3  }
0x38: {  	[dreg:$0x1] =	wrdreg $0xFFFFFFFF  }
0x39: {  	_ =	task.clear_ibuf [dreg:s7], $0x2FFFF;
	_ =	strace $0x9FFFFFFF  }
0x3a: {  	(tm) =	ssettm $0x7FFFFFFF  }
0x3b: {  	_ =	shalt  }
tec
execute0_lowered:
.L_overlay_start_1:
0x0: {  	(tag) =	ssettag $0x1  }
0x1: {  	s0 =	srdreg.scid;
	s9 =	rddreg [dreg:$0x0]  }
0x2: {  	s2 =	rddreg [dreg:$0x1];
	s7 =	simm.s32 $0x1;
	s1 =	sshll.u32 s0, $0x4  }
0x3: {  	s8 =	simm.s32 $0x2;
	s0 =	stileid.u32;
	s1 =	sand.u32 $0x10, s1  }
0x4: {  	s15 =	simm.s32 $0x0;
	s11 =	simm.s32 $0x4000;
	s1 =	sor.u32 s0, s1  }
0x5: {  	s16 =	simm.s32 $0x0;
	s12 =	simm.s32 $0x0;
	s3 =	sshll.u32 s1, $0x2  }
0x6: {  	s14 =	simm.s32 $0x0;
	s4 =	sadd.s32 $0x801400, s9;
	s6 =	ssub.s32 $0x400, s3  }
0x7: {  	s1 =	rddreg [dreg:$0x2];
	_ =	strace $0x8000004D;
	s5 =	sand.u32 $0x7C, s6  }
.Ltmp0:
0x8: {  	s13 =	smov.u32 s3;
	p0 =	sne.s32 s5, $0x0;
	(pc) =	sbr.rel .LBB1_1-.Ltmp0, $4  }
0x9: {  	s6 =	sshrl.u32 s6, $0x7;
	s5 =	simm.s32 $0x1;
	s7 =	simm.s32 @!p0 $0x0  }
0xa: {  	[sflag:s5] =	ssyncpa.u1 $0x0;
	p0 =	por $0x0, $0x0;
	s6 =	sadd.s32 s7, s6  }
0xb: {  	[sflag:s8] =	ssyncpa.u1 $0x0;
	s7 =	sadd.s32 $0x809400, s9;
	s6 =	sshll.u32 s6, $0x4  }
0xc: {  	s8 =	sadd.s32 $0x811400, s9;
	s9 =	sadd.s32 $0x819400, s9;
	s10 =	sor.u32 $0x1, s6  }
.LBB1_7:
0xd: {  	s17 =	sadd.s32 $0x80, s12  }
0xe: {  	s15 =	sadd.s32 $0x80, s13;
	s19 =	smov.u32 s13;
	p2 =	sgt.s32 s17, $0x7FF  }
0xf: {  	s19 =	smov.u32 @p2 s15  }
0x10: {  	s17 =	simm.s32 @p2 $0x0;
	p2 =	sgt.s32 s19, $0x3FF  }
0x11: {  	s19 =	smov.u32 @p2 s3;
	p2 =	sne.s32 s14, s10  }
.Ltmp1:
0x12: {  	p1 =	slt.u32 s14, $0x2;
	(pc) =	sbr.rel @!p2 .LBB1_8-.Ltmp1, $4  }
0x13: {  	s18 =	simm.s32 @!p1 $0x2  }
0x14: {  	s16 =	smov.u32 s13;
	p0 =	por !p0, !p0;
	_ =	swait.ge @!p1 [sflag:s18], $0x4000  }
0x15: {  	s15 =	smov.u32 s12;
	[sflag:s18] =	ssyncset.done @!p1 $0x0;
	s12 =	smov.u32 s17  }
0x16: {  	s14 =	sadd.s32 $0x1, s14;
	[sflag:s18] =	ssyncadd.s32 @!p1 $0xFFFFC000;
	s13 =	smov.u32 s19  }
.LBB1_1:
0x17: {  	p1 =	sge.u32 s14, s6  }
0x18: {  	s17 =	sxor.u32 @!p1 $0xFFFFFFFF, s14  }
0x19: {  	s18 =	sshll.u32 @!p1 s13, $0xF;
	s19 =	sshll.u32 @!p1 s12, $0x4;
	s21 =	simm.s32 @!p1 $0x20  }
0x1a: {  	s17 =	sshll.u32 @!p1 s17, $0xE;
	s19 =	sand.u32 @!p1 $0x7FF0, s19;
	s20 =	sadd.s32 @!p1 s4, s18  }
0x1b: {  	s22 =	simm.s32 @!p1 $0x80;
	s17 =	sand.u32 @!p1 $0x4000, s17;
	s20 =	sadd.s32 @!p1 s19, s20  }
0x1c: {  	[tilespmem:s17], [sflag:$0x1] =	stream.strided.gather @!p1 [hbm4b:s20+s21], $0x1000, s22, s21, $0x38;
	[tilespmem:$0x10100] =	vst v63  }
0x1d: {  	s20 =	sadd.s32 @!p1 s18, s7  }
0x1e: {  	s23 =	sor.u32 @!p1 $0x1000, s17;
	s20 =	sadd.s32 @!p1 s19, s20  }
0x1f: {  	[tilespmem:s23], [sflag:$0x1] =	stream.strided.gather @!p1 [hbm4b:s20+s21], $0x1000, s22, s21, $0x38;
	[tilespmem:$0x10100] =	vst v63  }
0x20: {  	s20 =	sadd.s32 @!p1 s18, s8  }
0x21: {  	s23 =	sor.u32 @!p1 $0x2000, s17;
	s18 =	sadd.s32 @!p1 s18, s9;
	s20 =	sadd.s32 @!p1 s19, s20  }
0x22: {  	[tilespmem:s23], [sflag:$0x1] =	stream.strided.gather @!p1 [hbm4b:s20+s21], $0x1000, s22, s21, $0x38;
	[tilespmem:$0x10100] =	vst v63  }
0x23: {  	s31 =	sadd.s32 $0xFFFFFFFF, s14;
	s17 =	sor.u32 @!p1 $0x3000, s17;
	s18 =	sadd.s32 @!p1 s19, s18  }
0x24: {  	[tilespmem:s17], [sflag:$0x1] =	stream.strided.gather @!p1 [hbm4b:s18+s21], $0x1000, s22, s21, $0x38;
	[tilespmem:$0x10100] =	vst v63  }
0x25: {  	p1 =	sge.u32 s31, s6  }
.Ltmp2:
0x26: {  	_ = 	snop;
	(pc) =	sbr.rel @p1 .LBB1_7-.Ltmp2, $1  }
0x27: {  	_ =	sdelay $0x3  }
0x28: {  	s17 =	simm.s32 $0x1;
	s19 =	sand.u32 $0x1, s14  }
0x29: {  	_ =	swait.ge [sflag:s5], $0x4000;
	s17 =	simm.s32 @!p0 $0x0;
	s20 =	smul.u32 $0x10200, s19  }
0x2a: {  	[sflag:s5] =	ssyncset.done $0x0;
	s18 =	smul.u32 $0x10200, s17  }
0x2b: {  	s17 =	sshll.u32 s17, $0xE;
	[sflag:s5] =	ssyncadd.s32 $0xFFFFC000  }
0x2c: {  	s19 =	sor.u32 $0x10, s17;
	s31 =	sshrl.u32 s20, $0x2;
	s18 =	sshrl.u32 s18, $0x2  }
0x2d: {  	s20 =	simm.s32 $0x0;
	s17 =	sor.u32 $0x8000, s31;
	s18 =	sor.u32 $0x8000, s18  }
.LBB1_3:
0x2e: {  	v1 =	vld [tilespmem:s19+$0x0]  }
0x2f: {  	v0 =	vld [tilespmem:s19+$0xFFFFFFF0];
	_ =	sdelay $0x2  }
0x30: {  	s23 =	sadd.s32 $0x0, s18  }
0x31: {  	s21 =	simm.s32 $0x4;
	s22 =	sadd.s32 $0x20, s19;
	[tilespmem:s23+$0x810 ss:$0x81] =	vst.msk $0xffff, v1  }
.LBB1_4:
0x32: {  	v1 =	vld [tilespmem:s22+$0x0];
	p1 =	sne.s32 s21, $0x1FC;
	[tilespmem:s23+$0x0 ss:$0x81] =	vst.msk $0xffff, v0;
	s23 =	smov.u32 s21;
	s21 =	sadd.s32 $0x4, s21  }
.Ltmp3:
0x33: {  	v0 =	vld [tilespmem:s22+$0xFFFFFFF0];
	(pc) =	sbr.rel @p1 .LBB1_4-.Ltmp3, $4  }
0x34: {  	_ = 	snop  }
0x35: {  	s23 =	sshra.s32 s23, $0x2  }
0x36: {  	s23 =	sadd.s32 s23, s18  }
0x37: {  	s22 =	sadd.s32 $0x20, s22;
	[tilespmem:s23+$0x810 ss:$0x81] =	vst.msk $0xffff, v1  }
0x38: {  	s20 =	sadd.s32 $0x1, s20  }
0x39: {  	p1 =	sne.s32 s20, $0x4  }
.Ltmp4:
0x3a: {  	_ = 	snop;
	(pc) =	sbr.rel @p1 .LBB1_3-.Ltmp4, $2  }
0x3b: {  	_ =	sdelay $0x2  }
0x3c: {  	[tilespmem:s23+$0x0 ss:$0x81] =	vst.msk $0xffff, v0;
	s18 =	sadd.s32 $0x1020, s18;
	s19 =	sadd.s32 $0x1000, s19  }
0x3d: {  	s18 =	sshll.u32 s15, $0x3;
	s19 =	sand.u32 $0x78, s15;
	s16 =	sshll.u32 s16, $0xD  }
.Ltmp5:
0x3e: {  	s30 =	sand.u32 $0x1F00, s15;
	s18 =	sand.u32 $0x400, s18;
	(pc) =	sbr.rel .LBB1_7-.Ltmp5, $4  }
0x3f: {  	s31 =	sand.u32 $0x7, s15;
	s16 =	sadd.s32 s2, s16;
	s18 =	sor.u32 s19, s18  }
0x40: {  	s15 =	sshll.u32 s31, $0x12;
	s16 =	sadd.s32 s30, s16;
	s18 =	sshrl.u32 s18, $0x3  }
0x41: {  	s15 =	sor.u32 $0x400, s15;
	s16 =	sadd.s32 s18, s16  }
0x42: {  	[hbm4b:s16+s15] =	stream.strided.scatter [tilespmem:s17], [sflag:$0x2], $0x4000, s11, s15, $0x20;
	[tilespmem:$0x10100] =	vst v63  }
.LBB1_8:
0x43: {  	_ =	sfence.sel $0x180000  }
0x44: {  	s2 =	simm.s32 $0x1;
	[bflag:$0x0] =	sbarrier.arrive $0xFFFF  }
0x45: {  	s31 =	simm.s32 $0x2;
	[sflag:s2] =	ssyncpa.u1 $0x1  }
0x46: {  	[sflag:s31] =	ssyncpa.u1 $0x1  }
0x47: {  	p0 =	sne.s32 s0, $0x0;
	_ =	strace $0x9000004D  }
0x48: {  	s0 =	sadd.s32 @!p0 $0x100000, s1;
	[bflag:$0x2] =	sbarrier.arrive $0xFFFF  }
0x49: {  	[sflag:s0] =	ssyncadd.tile.s32 @!p0 $0x1;
	_ =	shalt  }
.Lfunc_end1:
_tile_overlayer_lowered:
.L_overlay_start_2:
0x4a: {  	(tag) =	ssettag $0x2  }
0x4b: {  	s0 =	rddreg [dreg:$0x0];
	s2 =	stileid.u32  }
0x4c: {  	s1 =	rddreg [dreg:$0x1];
	p0 =	sne.s32 s2, $0x0  }
0x4d: {  	s3 =	rddreg [dreg:$0x2];
	[bflag:$0x3] =	sbarrier.arrive $0xFFFF;
	s2 =	simm.s32 @!p0 $0x1C01  }
0x4e: {  	[timem:s3], [sflag:s2] =	dma.local @!p0 [hbm:s0], s1  }
0x4f: {  	s0 =	simm.s32 @!p0 $0x1  }
0x50: {  	_ =	swait.ge @!p0 [sflag:s0], s1  }
0x51: {  	s1 =	ssub.s32 @!p0 $0x0, s1;
	[sflag:s0] =	ssyncset.done @!p0 $0x0  }
0x52: {  	[sflag:s0] =	ssyncadd.s32 @!p0 s1  }
0x53: {  	[bflag:$0x3] =	sbarrier.arrive $0xFFFF  }
0x54: {  	_ =	shalt  }

</sc_bundles>
